<compile_context>
chip_gen: v7x
topology: tpu7x:2x2x1
jax: 0.10.2.dev20260603
libtpu: 0.0.44.dev20260713+nightly
codegen_flags: <defaults>
</compile_context>

<pallas_src>
import functools

import jax
import jax.numpy as jnp
from jax import lax
from jax.experimental import pallas as pl
from jax.experimental.pallas import tpu as pltpu
from jax.experimental.pallas import tpu_sc as plsc

_NC = 2
_NS = 16
_ECH = 80
_PCH = 128
_G = 64
_GP = 72


def _make_segsum(NP2, E, W, npass):
    NPH = NP2 // _NC
    NACC = NPH + 8 * _NS
    rz = NACC // _NS
    ro = NPH // _NS
    nch = E // (_NS * _ECH)
    mesh = plsc.VectorSubcoreMesh(core_axis_name="c", subcore_axis_name="s",
                                  num_cores=_NC, num_subcores=_NS)

    @functools.partial(
        pl.kernel,
        out_type=jax.ShapeDtypeStruct((npass * NP2, W), jnp.float32),
        mesh=mesh,
        scratch_types=[
            pltpu.VMEM((nch, _ECH), jnp.int32),
            pltpu.VMEM((nch, _ECH), jnp.int32),
            pltpu.VMEM((_ECH, W), jnp.float32),
            pltpu.VMEM((_ECH, W), jnp.float32),
            pltpu.VMEM_SHARED((NACC, W), jnp.float32),
            pltpu.SemaphoreType.DMA,
            pltpu.SemaphoreType.DMA,
        ],
    )
    def segsum(table, srcs, dsts, zz, out, idxs_v, idxd_v, rows0, rows1,
               acc, g0, g1):
        cid = lax.axis_index("c")
        sid = lax.axis_index("s")
        pltpu.sync_copy(dsts.at[cid, sid], idxd_v)
        for p in range(npass):
            pltpu.sync_copy(zz.at[pl.ds(sid * rz, rz)], acc.at[pl.ds(sid * rz, rz)])
            pltpu.sync_copy(srcs.at[p, sid], idxs_v)
            plsc.subcore_barrier()
            pltpu.async_copy(table.at[idxs_v.at[0]], rows0, g0)
            pltpu.async_copy(table.at[idxs_v.at[1]], rows1, g1)

            def body(j, carry):
                pltpu.make_async_copy(table.at[idxs_v.at[2 * j]],
                                      rows0, g0).wait()
                pltpu.sync_copy(rows0, acc.at[idxd_v.at[2 * j]], add=True)
                pltpu.async_copy(table.at[idxs_v.at[2 * j + 2]], rows0, g0)
                pltpu.make_async_copy(table.at[idxs_v.at[2 * j + 1]],
                                      rows1, g1).wait()
                pltpu.sync_copy(rows1, acc.at[idxd_v.at[2 * j + 1]], add=True)
                pltpu.async_copy(table.at[idxs_v.at[2 * j + 3]], rows1, g1)
                return carry

            lax.fori_loop(0, nch // 2 - 1, body, 0)
            pltpu.make_async_copy(table.at[idxs_v.at[nch - 2]], rows0, g0).wait()
            pltpu.sync_copy(rows0, acc.at[idxd_v.at[nch - 2]], add=True)
            pltpu.make_async_copy(table.at[idxs_v.at[nch - 1]], rows1, g1).wait()
            pltpu.sync_copy(rows1, acc.at[idxd_v.at[nch - 1]], add=True)
            plsc.subcore_barrier()
            pltpu.sync_copy(acc.at[pl.ds(sid * ro, ro)],
                            out.at[pl.ds(p * NP2 + cid * NPH + sid * ro, ro)])
            if p + 1 < npass:
                plsc.subcore_barrier()

    return segsum


def _make_pool(N, D2):
    npch = N // (_NS * _PCH)
    rpt = N // _NS
    mesh = plsc.VectorSubcoreMesh(core_axis_name="c", subcore_axis_name="s",
                                  num_cores=_NC, num_subcores=_NS)

    @functools.partial(
        pl.kernel,
        out_type=(jax.ShapeDtypeStruct((_NC, _GP, D2), jnp.float32),
                  jax.ShapeDtypeStruct((_GP, D2), jnp.float32)),
        mesh=mesh,
        scratch_types=[
            pltpu.VMEM((npch, _PCH), jnp.int32),
            pltpu.VMEM((_PCH, D2), jnp.float32),
            pltpu.VMEM((_PCH, D2), jnp.float32),
            pltpu.VMEM_SHARED((_GP, D2), jnp.float32),
            pltpu.VMEM_SHARED((_GP, D2), jnp.float32),
            pltpu.SemaphoreType.DMA,
        ],
    )
    def pool(h2s, batch3, zgd, onesd, sums_out, cnt_out,
             bidx_v, rows_v, ones_v, accp, accc, sem):
        cid = lax.axis_index("c")
        sid = lax.axis_index("s")

        @pl.when(sid == 0)
        def _zero():
            pltpu.sync_copy(zgd, accp)
            pltpu.sync_copy(zgd, accc)

        pltpu.sync_copy(batch3.at[sid], bidx_v)
        pltpu.sync_copy(onesd, ones_v)
        plsc.subcore_barrier()

        def body(i, carry):
            r0 = cid * N + sid * rpt + i * _PCH
            pltpu.async_copy(h2s.at[pl.ds(r0, _PCH)], rows_v, sem).wait()
            pltpu.sync_copy(rows_v, accp.at[bidx_v.at[i]], add=True)

            @pl.when(cid == 0)
            def _cnt():
                pltpu.sync_copy(ones_v, accc.at[bidx_v.at[i]], add=True)

            return carry

        lax.fori_loop(0, npch, body, 0)
        plsc.subcore_barrier()

        @pl.when(sid == 0)
        def _out():
            pltpu.sync_copy(accp, sums_out.at[cid])

        @pl.when((sid == 0) & (cid == 0))
        def _outc():
            pltpu.sync_copy(accc, cnt_out)

    return pool


def _mlp1_body(x_ref, a_ref, W1_ref, b1_ref, W2_ref, b2_ref, out_ref):
    h = x_ref[...] + a_ref[...]
    h = jnp.maximum(jnp.dot(h, W1_ref[...], preferred_element_type=jnp.float32)
                    + b1_ref[...], 0.0)
    y = jnp.maximum(jnp.dot(h, W2_ref[...], preferred_element_type=jnp.float32)
                    + b2_ref[...], 0.0)
    half = y.shape[1] // 2
    out_ref[0] = y[:, :half]
    out_ref[1] = y[:, half:]


def _mlp2_body(h_ref, a_ref, W1_ref, b1_ref, W2_ref, b2_ref, out_ref):
    h = jnp.concatenate([h_ref[0] + a_ref[0], h_ref[1] + a_ref[1]], axis=1)
    h = jnp.maximum(jnp.dot(h, W1_ref[...], preferred_element_type=jnp.float32)
                    + b1_ref[...], 0.0)
    y = jnp.maximum(jnp.dot(h, W2_ref[...], preferred_element_type=jnp.float32)
                    + b2_ref[...], 0.0)
    half = y.shape[1] // 2
    out_ref[0] = y[:, :half]
    out_ref[1] = y[:, half:]


def _final_body(s_ref, c_ref, Wc_ref, bc_ref, out_ref):
    sums = jnp.concatenate([s_ref[0, :_G], s_ref[1, :_G]], axis=1)
    cnt = c_ref[:_G, 0:1]
    mean = sums / jnp.maximum(cnt, 1.0)
    logits = jnp.dot(mean, Wc_ref[...], preferred_element_type=jnp.float32) + bc_ref[...]
    m = jnp.max(logits, axis=1, keepdims=True)
    lse = jnp.log(jnp.sum(jnp.exp(logits - m), axis=1, keepdims=True)) + m
    out_ref[...] = logits - lse


def kernel(x, edge_index, batch, W1a, b1a, W2a, b2a, W1b, b1b, W2b, b2b, Wc, bc):
    N, D = x.shape
    E = edge_index.shape[1]
    H = W1a.shape[1]
    C = Wc.shape[1]
    D2a, D2b = D // 2, H // 2
    NP = ((N + _NS * _PCH - 1) // (_NS * _PCH)) * (_NS * _PCH)
    R = 1024

    NPH = NP // _NC
    NACC = NPH + 8 * _NS
    ecb = _NS * _ECH
    nch = -(-E // ecb)
    nch += nch % 2
    EP = ecb * nch
    src = jnp.concatenate([edge_index[0], jnp.zeros(EP - E, jnp.int32)])
    dst = jnp.concatenate([edge_index[1], jnp.full(EP - E, NP, jnp.int32)])
    src3 = src.reshape(_NS, nch, _ECH)
    dsts = jnp.stack([jnp.where(dst < NPH, dst, NPH),
                      jnp.where(dst >= NPH, dst - NPH, NPH)])
    dsts = dsts.reshape(_NC, _NS, nch, _ECH)
    zacc = jnp.zeros((NACC, D2b), jnp.float32)

    xp = jnp.pad(x, ((0, NP - N), (0, 0)))
    agg1 = _make_segsum(NP, EP, D, 1)(xp, src3[None], dsts, zacc)

    hs = pl.pallas_call(
        _mlp1_body,
        grid=(NP // R,),
        in_specs=[
            pl.BlockSpec((R, D), lambda i: (i, 0)),
            pl.BlockSpec((R, D), lambda i: (i, 0)),
            pl.BlockSpec((D, H), lambda i: (0, 0)),
            pl.BlockSpec((1, H), lambda i: (0, 0)),
            pl.BlockSpec((H, H), lambda i: (0, 0)),
            pl.BlockSpec((1, H), lambda i: (0, 0)),
        ],
        out_specs=pl.BlockSpec((_NC, R, D2b), lambda i: (0, i, 0)),
        out_shape=jax.ShapeDtypeStruct((_NC, NP, D2b), jnp.float32),
    )(xp, agg1, W1a, b1a.reshape(1, H), W2a, b2a.reshape(1, H))

    srcs2 = jnp.stack([src3, src3 + NP])
    agg2 = _make_segsum(NP, EP, D2b, 2)(
        hs.reshape(_NC * NP, D2b), srcs2, dsts, zacc).reshape(_NC, NP, D2b)

    h2s = pl.pallas_call(
        _mlp2_body,
        grid=(NP // R,),
        in_specs=[
            pl.BlockSpec((_NC, R, D2b), lambda i: (0, i, 0)),
            pl.BlockSpec((_NC, R, D2b), lambda i: (0, i, 0)),
            pl.BlockSpec((H, H), lambda i: (0, 0)),
            pl.BlockSpec((1, H), lambda i: (0, 0)),
            pl.BlockSpec((H, H), lambda i: (0, 0)),
            pl.BlockSpec((1, H), lambda i: (0, 0)),
        ],
        out_specs=pl.BlockSpec((_NC, R, D2b), lambda i: (0, i, 0)),
        out_shape=jax.ShapeDtypeStruct((_NC, NP, D2b), jnp.float32),
    )(hs, agg2, W1b, b1b.reshape(1, H), W2b, b2b.reshape(1, H))

    batchp = jnp.pad(batch, (0, NP - N), constant_values=_G)
    batch3 = batchp.reshape(_NS, NP // (_NS * _PCH), _PCH)
    zgd = jnp.zeros((_GP, D2b), jnp.float32)
    onesd = jnp.ones((_PCH, D2b), jnp.float32)
    sums, cnt = _make_pool(NP, D2b)(h2s.reshape(_NC * NP, D2b), batch3,
                                    zgd, onesd)

    out = pl.pallas_call(
        _final_body,
        in_specs=[
            pl.BlockSpec((_NC, _GP, D2b), lambda: (0, 0, 0)),
            pl.BlockSpec((_GP, D2b), lambda: (0, 0)),
            pl.BlockSpec((H, C), lambda: (0, 0)),
            pl.BlockSpec((1, C), lambda: (0, 0)),
        ],
        out_specs=pl.BlockSpec((_G, C), lambda: (0, 0)),
        out_shape=jax.ShapeDtypeStruct((_G, C), jnp.float32),
    )(sums, cnt, Wc, bc.reshape(1, C))
    return out

# --- scband reference (transcript-rebuilt; emitter-appended) ---
"""Pipeline reference for scband-base-gin-45449343926615 (READ-ONLY COPY).

The authoritative reference and input builder live on the scoring server;
editing this copy changes nothing except your own understanding.
"""

import jax, jax.numpy as jnp
import numpy as np

N, E, D, H, C, G = 10000, 320000, 128, 256, 10, 64

def setup_inputs(seed: int = 0) -> dict:
    key = jax.random.key(seed)
    ks = jax.random.split(key, 14)
    x = jax.random.normal(ks[0], (N, D), dtype=jnp.float32)
    edge_index = jax.random.randint(ks[1], (2, E), 0, N, dtype=jnp.int32)
    batch = jnp.sort(jax.random.randint(ks[2], (N,), 0, G, dtype=jnp.int32))
    def lin(k, fan_in, fan_out):
        bound = 1.0 / np.sqrt(fan_in)
        kw, kb = jax.random.split(k)
        W = jax.random.uniform(kw, (fan_in, fan_out), minval=-bound, maxval=bound, dtype=jnp.float32)
        b = jax.random.uniform(kb, (fan_out,), minval=-bound, maxval=bound, dtype=jnp.float32)
        return W, b
    W1a, b1a = lin(ks[3], D, H)
    W2a, b2a = lin(ks[4], H, H)
    W1b, b1b = lin(ks[5], H, H)
    W2b, b2b = lin(ks[6], H, H)
    Wc, bc = lin(ks[7], H, C)
    return {"x": x, "edge_index": edge_index, "batch": batch,
            "W1a": W1a, "b1a": b1a, "W2a": W2a, "b2a": b2a,
            "W1b": W1b, "b1b": b1b, "W2b": W2b, "b2b": b2b,
            "Wc": Wc, "bc": bc}

def _gin_conv(x, edge_index, W1, b1, W2, b2, eps=0.0):
    # sum-aggregate messages from src -> dst
    src, dst = edge_index[0], edge_index[1]
    msgs = jnp.take(x, src, axis=0)
    agg = jnp.zeros_like(x).at[dst].add(msgs)
    h = (1.0 + eps) * x + agg
    # MLP([in, hidden, hidden], norm=None): Linear -> ReLU -> Linear (plain last)
    h = jax.nn.relu(h @ W1 + b1)
    h = h @ W2 + b2
    return h

def reference(x, edge_index, batch, W1a, b1a, W2a, b2a, W1b, b1b, W2b, b2b, Wc, bc):
    h = _gin_conv(x, edge_index, W1a, b1a, W2a, b2a)
    h = jax.nn.relu(h)
    # dropout is identity in eval mode
    h = _gin_conv(h, edge_index, W1b, b1b, W2b, b2b)
    h = jax.nn.relu(h)
    # global_mean_pool over graph ids
    sums = jax.ops.segment_sum(h, batch, num_segments=G)
    counts = jax.ops.segment_sum(jnp.ones((h.shape[0],), dtype=h.dtype), batch, num_segments=G)
    graph_embed = sums / jnp.clip(counts, 1.0, None)[:, None]
    logits = graph_embed @ Wc + bc
    return jax.nn.log_softmax(logits, axis=-1)

if __name__ == "__main__":
    import jax
    _d = setup_inputs()
    print(jax.jit(kernel)(*tuple(_d.values())))

</pallas_src>

<mosaic_0001>
#map = affine_map<(d0, d1) -> (0, 0)>
#map1 = affine_map<(d0, d1) -> (0, 0, 0, 0)>
module attributes {stable_mosaic.version = 14 : i64} {
  func.func @segsum(%arg0: i32, %arg1: i32, %arg2: memref<10240x128xf32, #tpu.memory_space<hbm>>, %arg3: memref<1x16x250x80xi32, #tpu.memory_space<hbm>>, %arg4: memref<2x16x250x80xi32, #tpu.memory_space<hbm>>, %arg5: memref<5248x128xf32, #tpu.memory_space<hbm>>, %arg6: memref<10240x128xf32, #tpu.memory_space<hbm>>, %arg7: memref<250x80xi32, #tpu.memory_space<vmem>>, %arg8: memref<250x80xi32, #tpu.memory_space<vmem>>, %arg9: memref<80x128xf32, #tpu.memory_space<vmem>>, %arg10: memref<80x128xf32, #tpu.memory_space<vmem>>, %arg11: memref<5248x128xf32, #tpu.memory_space<vmem_shared>>, %arg12: memref<!tpu.dma_semaphore, #tpu.memory_space<semaphore_mem>>, %arg13: memref<!tpu.dma_semaphore, #tpu.memory_space<semaphore_mem>>) attributes {dimension_semantics = [#tpu.dimension_semantics<core_parallel>, #tpu.dimension_semantics<subcore_parallel>], iteration_bounds = array<i64: 2, 16>, scalar_prefetch = 0 : i64, scratch_operands = 7 : i64, tpu.core_type = #tpu.core_type<sc_vector_subcore>, window_params = [{transform_indices = #map}, {transform_indices = #map1}, {transform_indices = #map1}, {transform_indices = #map}, {transform_indices = #map}]} {
    "tpu.region"() ({
      %run_scoped3A_45 = tpu.sem_alloc : memref<!tpu.dma_semaphore, #tpu.memory_space<semaphore_mem>>
      %dma_start3A_46 = arith.constant 0 : i32
      %dma_start3A_47 = arith.constant 0 : i32
      %dma_start3A_48 = tpu.memref_slice %arg4[%arg0, %arg1, %dma_start3A_46, %dma_start3A_47] : memref<2x16x250x80xi32, #tpu.memory_space<hbm>> -> memref<1x1x250x80xi32, #tpu.memory_space<hbm>>
      %dma_start3A_49 = tpu.memref_squeeze %dma_start3A_48 : memref<1x1x250x80xi32, #tpu.memory_space<hbm>> -> memref<250x80xi32, #tpu.memory_space<hbm>>
      %dma_start3A_50 = arith.constant 0 : i32
      %dma_start3A_51 = arith.constant 0 : i32
      %dma_start3A_52 = tpu.memref_slice %arg4[%arg0, %arg1, %dma_start3A_50, %dma_start3A_51] : memref<2x16x250x80xi32, #tpu.memory_space<hbm>> -> memref<1x1x250x80xi32, #tpu.memory_space<hbm>>
      %dma_start3A_53 = tpu.memref_squeeze %dma_start3A_52 : memref<1x1x250x80xi32, #tpu.memory_space<hbm>> -> memref<250x80xi32, #tpu.memory_space<hbm>>
      tpu.enqueue_dma source(%dma_start3A_53 : memref<250x80xi32, #tpu.memory_space<hbm>>) target(%arg8 : memref<250x80xi32, #tpu.memory_space<vmem>>) target_semaphore(%run_scoped3A_45 : memref<!tpu.dma_semaphore, #tpu.memory_space<semaphore_mem>>)
      %dma_wait3A_54 = arith.constant 0 : i32
      %dma_wait3A_55 = arith.constant 0 : i32
      %dma_wait3A_56 = tpu.memref_slice %arg4[%arg0, %arg1, %dma_wait3A_54, %dma_wait3A_55] : memref<2x16x250x80xi32, #tpu.memory_space<hbm>> -> memref<1x1x250x80xi32, #tpu.memory_space<hbm>>
      %dma_wait3A_57 = tpu.memref_squeeze %dma_wait3A_56 : memref<1x1x250x80xi32, #tpu.memory_space<hbm>> -> memref<250x80xi32, #tpu.memory_space<hbm>>
      %dma_wait3A_58 = arith.constant 0 : i32
      %dma_wait3A_59 = arith.constant 0 : i32
      %dma_wait3A_60 = tpu.memref_slice %arg4[%arg0, %arg1, %dma_wait3A_58, %dma_wait3A_59] : memref<2x16x250x80xi32, #tpu.memory_space<hbm>> -> memref<1x1x250x80xi32, #tpu.memory_space<hbm>>
      %dma_wait3A_61 = tpu.memref_squeeze %dma_wait3A_60 : memref<1x1x250x80xi32, #tpu.memory_space<hbm>> -> memref<250x80xi32, #tpu.memory_space<hbm>>
      tpu.wait_dma2 semaphore(%run_scoped3A_45 : memref<!tpu.dma_semaphore, #tpu.memory_space<semaphore_mem>>) src(%dma_wait3A_61 : memref<250x80xi32, #tpu.memory_space<hbm>>) dst(%arg8 : memref<250x80xi32, #tpu.memory_space<vmem>>)
      tpu.yield
    }) : () -> ()
    %mul3A = arith.constant 328 : i32
    %mul3A_0 = arith.muli %arg1, %mul3A : i32
    %mul3A_1 = arith.constant 328 : i32
    %mul3A_2 = arith.muli %arg1, %mul3A_1 : i32
    "tpu.region"() ({
      %run_scoped3A_45 = tpu.sem_alloc : memref<!tpu.dma_semaphore, #tpu.memory_space<semaphore_mem>>
      %dma_start3A_46 = arith.constant 0 : i32
      %dma_start3A_47 = tpu.memref_slice %arg11[%mul3A_2, %dma_start3A_46] : memref<5248x128xf32, #tpu.memory_space<vmem_shared>> -> memref<328x128xf32, #tpu.memory_space<vmem_shared>>
      %dma_start3A_48 = arith.constant 0 : i32
      %dma_start3A_49 = tpu.memref_slice %arg5[%mul3A_0, %dma_start3A_48] : memref<5248x128xf32, #tpu.memory_space<hbm>> -> memref<328x128xf32, #tpu.memory_space<hbm>>
      tpu.enqueue_dma source(%dma_start3A_49 : memref<328x128xf32, #tpu.memory_space<hbm>>) target(%dma_start3A_47 : memref<328x128xf32, #tpu.memory_space<vmem_shared>>) target_semaphore(%run_scoped3A_45 : memref<!tpu.dma_semaphore, #tpu.memory_space<semaphore_mem>>)
      %dma_wait3A_50 = arith.constant 0 : i32
      %dma_wait3A_51 = tpu.memref_slice %arg11[%mul3A_2, %dma_wait3A_50] : memref<5248x128xf32, #tpu.memory_space<vmem_shared>> -> memref<328x128xf32, #tpu.memory_space<vmem_shared>>
      %dma_wait3A_52 = arith.constant 0 : i32
      %dma_wait3A_53 = tpu.memref_slice %arg5[%mul3A_0, %dma_wait3A_52] : memref<5248x128xf32, #tpu.memory_space<hbm>> -> memref<328x128xf32, #tpu.memory_space<hbm>>
      tpu.wait_dma2 semaphore(%run_scoped3A_45 : memref<!tpu.dma_semaphore, #tpu.memory_space<semaphore_mem>>) src(%dma_wait3A_53 : memref<328x128xf32, #tpu.memory_space<hbm>>) dst(%dma_wait3A_51 : memref<328x128xf32, #tpu.memory_space<vmem_shared>>)
      tpu.yield
    }) : () -> ()
    %run_scoped3A = arith.constant 0 : i32
    "tpu.region"() ({
      %run_scoped3A_45 = tpu.sem_alloc : memref<!tpu.dma_semaphore, #tpu.memory_space<semaphore_mem>>
      %dma_start3A_46 = arith.constant 0 : i32
      %dma_start3A_47 = arith.constant 0 : i32
      %dma_start3A_48 = tpu.memref_slice %arg3[%run_scoped3A, %arg1, %dma_start3A_46, %dma_start3A_47] : memref<1x16x250x80xi32, #tpu.memory_space<hbm>> -> memref<1x1x250x80xi32, #tpu.memory_space<hbm>>
      %dma_start3A_49 = tpu.memref_squeeze %dma_start3A_48 : memref<1x1x250x80xi32, #tpu.memory_space<hbm>> -> memref<250x80xi32, #tpu.memory_space<hbm>>
      %dma_start3A_50 = arith.constant 0 : i32
      %dma_start3A_51 = arith.constant 0 : i32
      %dma_start3A_52 = tpu.memref_slice %arg3[%run_scoped3A, %arg1, %dma_start3A_50, %dma_start3A_51] : memref<1x16x250x80xi32, #tpu.memory_space<hbm>> -> memref<1x1x250x80xi32, #tpu.memory_space<hbm>>
      %dma_start3A_53 = tpu.memref_squeeze %dma_start3A_52 : memref<1x1x250x80xi32, #tpu.memory_space<hbm>> -> memref<250x80xi32, #tpu.memory_space<hbm>>
      tpu.enqueue_dma source(%dma_start3A_53 : memref<250x80xi32, #tpu.memory_space<hbm>>) target(%arg7 : memref<250x80xi32, #tpu.memory_space<vmem>>) target_semaphore(%run_scoped3A_45 : memref<!tpu.dma_semaphore, #tpu.memory_space<semaphore_mem>>)
      %dma_wait3A_54 = arith.constant 0 : i32
      %dma_wait3A_55 = arith.constant 0 : i32
      %dma_wait3A_56 = tpu.memref_slice %arg3[%run_scoped3A, %arg1, %dma_wait3A_54, %dma_wait3A_55] : memref<1x16x250x80xi32, #tpu.memory_space<hbm>> -> memref<1x1x250x80xi32, #tpu.memory_space<hbm>>
      %dma_wait3A_57 = tpu.memref_squeeze %dma_wait3A_56 : memref<1x1x250x80xi32, #tpu.memory_space<hbm>> -> memref<250x80xi32, #tpu.memory_space<hbm>>
      %dma_wait3A_58 = arith.constant 0 : i32
      %dma_wait3A_59 = arith.constant 0 : i32
      %dma_wait3A_60 = tpu.memref_slice %arg3[%run_scoped3A, %arg1, %dma_wait3A_58, %dma_wait3A_59] : memref<1x16x250x80xi32, #tpu.memory_space<hbm>> -> memref<1x1x250x80xi32, #tpu.memory_space<hbm>>
      %dma_wait3A_61 = tpu.memref_squeeze %dma_wait3A_60 : memref<1x1x250x80xi32, #tpu.memory_space<hbm>> -> memref<250x80xi32, #tpu.memory_space<hbm>>
      tpu.wait_dma2 semaphore(%run_scoped3A_45 : memref<!tpu.dma_semaphore, #tpu.memory_space<semaphore_mem>>) src(%dma_wait3A_61 : memref<250x80xi32, #tpu.memory_space<hbm>>) dst(%arg7 : memref<250x80xi32, #tpu.memory_space<vmem>>)
      tpu.yield
    }) : () -> ()
    %barrier3A = arith.constant 0 : index
    tpu.barrier barrier_id(%barrier3A)
    %dma_start3A = arith.constant 0 : i32
    %dma_start3A_3 = arith.constant 0 : i32
    %dma_start3A_4 = tpu.memref_slice %arg7[%dma_start3A, %dma_start3A_3] : memref<250x80xi32, #tpu.memory_space<vmem>> -> memref<1x80xi32, #tpu.memory_space<vmem>>
    %dma_start3A_5 = tpu.memref_squeeze %dma_start3A_4 : memref<1x80xi32, #tpu.memory_space<vmem>> -> memref<80xi32, #tpu.memory_space<vmem>>
    %dma_start3A_6 = arith.constant 0 : i32
    %dma_start3A_7 = arith.constant 0 : i32
    %dma_start3A_8 = tpu.memref_slice %arg2[%dma_start3A_6, %dma_start3A_7] : memref<10240x128xf32, #tpu.memory_space<hbm>> -> memref<10240x128xf32, #tpu.memory_space<hbm>>
    tpu.enqueue_indirect_dma source(%dma_start3A_8 : memref<10240x128xf32, #tpu.memory_space<hbm>>) target(%arg9 : memref<80x128xf32, #tpu.memory_space<vmem>>) offsets(%dma_start3A_5 : memref<80xi32, #tpu.memory_space<vmem>>) semaphore(%arg12 : memref<!tpu.dma_semaphore, #tpu.memory_space<semaphore_mem>>)
    %dma_start3A_9 = arith.constant 1 : i32
    %dma_start3A_10 = arith.constant 0 : i32
    %dma_start3A_11 = tpu.memref_slice %arg7[%dma_start3A_9, %dma_start3A_10] : memref<250x80xi32, #tpu.memory_space<vmem>> -> memref<1x80xi32, #tpu.memory_space<vmem>>
    %dma_start3A_12 = tpu.memref_squeeze %dma_start3A_11 : memref<1x80xi32, #tpu.memory_space<vmem>> -> memref<80xi32, #tpu.memory_space<vmem>>
    %dma_start3A_13 = arith.constant 0 : i32
    %dma_start3A_14 = arith.constant 0 : i32
    %dma_start3A_15 = tpu.memref_slice %arg2[%dma_start3A_13, %dma_start3A_14] : memref<10240x128xf32, #tpu.memory_space<hbm>> -> memref<10240x128xf32, #tpu.memory_space<hbm>>
    tpu.enqueue_indirect_dma source(%dma_start3A_15 : memref<10240x128xf32, #tpu.memory_space<hbm>>) target(%arg10 : memref<80x128xf32, #tpu.memory_space<vmem>>) offsets(%dma_start3A_12 : memref<80xi32, #tpu.memory_space<vmem>>) semaphore(%arg13 : memref<!tpu.dma_semaphore, #tpu.memory_space<semaphore_mem>>)
    %scan3A = arith.constant 0 : i32
    %scan3A_16 = arith.constant 0 : i32
    %scan3A_17 = arith.constant 124 : i32
    %scan3A_18 = arith.addi %scan3A_16, %scan3A_17 : i32
    %scan3A_19 = arith.constant 1 : i32
    scf.for %scan3A_45 = %scan3A_16 to %scan3A_18 step %scan3A_19  : i32 {
      %mul3A_46 = arith.constant 2 : i32
      %mul3A_47 = arith.muli %mul3A_46, %scan3A_45 : i32
      %dma_wait3A_48 = arith.constant 0 : i32
      %dma_wait3A_49 = tpu.memref_slice %arg7[%mul3A_47, %dma_wait3A_48] : memref<250x80xi32, #tpu.memory_space<vmem>> -> memref<1x80xi32, #tpu.memory_space<vmem>>
      %dma_wait3A_50 = tpu.memref_squeeze %dma_wait3A_49 : memref<1x80xi32, #tpu.memory_space<vmem>> -> memref<80xi32, #tpu.memory_space<vmem>>
      %dma_wait3A_51 = arith.constant 0 : i32
      %dma_wait3A_52 = arith.constant 0 : i32
      %dma_wait3A_53 = tpu.memref_slice %arg2[%dma_wait3A_51, %dma_wait3A_52] : memref<10240x128xf32, #tpu.memory_space<hbm>> -> memref<10240x128xf32, #tpu.memory_space<hbm>>
      tpu.wait_indirect_dma semaphore(%arg12 : memref<!tpu.dma_semaphore, #tpu.memory_space<semaphore_mem>>) src(%dma_wait3A_53 : memref<10240x128xf32, #tpu.memory_space<hbm>>) dst(%arg9 : memref<80x128xf32, #tpu.memory_space<vmem>>)
      %mul3A_54 = arith.constant 2 : i32
      %mul3A_55 = arith.muli %mul3A_54, %scan3A_45 : i32
      "tpu.region"() ({
        %run_scoped3A_90 = tpu.sem_alloc : memref<!tpu.dma_semaphore, #tpu.memory_space<semaphore_mem>>
        %dma_start3A_91 = arith.constant 0 : i32
        %dma_start3A_92 = tpu.memref_slice %arg8[%mul3A_55, %dma_start3A_91] : memref<250x80xi32, #tpu.memory_space<vmem>> -> memref<1x80xi32, #tpu.memory_space<vmem>>
        %dma_start3A_93 = tpu.memref_squeeze %dma_start3A_92 : memref<1x80xi32, #tpu.memory_space<vmem>> -> memref<80xi32, #tpu.memory_space<vmem>>
        %dma_start3A_94 = arith.constant 0 : i32
        %dma_start3A_95 = arith.constant 0 : i32
        %dma_start3A_96 = tpu.memref_slice %arg11[%dma_start3A_94, %dma_start3A_95] : memref<5248x128xf32, #tpu.memory_space<vmem_shared>> -> memref<5248x128xf32, #tpu.memory_space<vmem_shared>>
        tpu.enqueue_indirect_dma source(%arg9 : memref<80x128xf32, #tpu.memory_space<vmem>>) target(%dma_start3A_96 : memref<5248x128xf32, #tpu.memory_space<vmem_shared>>) offsets(%dma_start3A_93 : memref<80xi32, #tpu.memory_space<vmem>>) semaphore(%run_scoped3A_90 : memref<!tpu.dma_semaphore, #tpu.memory_space<semaphore_mem>>) {add = true}
        %dma_wait3A_97 = arith.constant 0 : i32
        %dma_wait3A_98 = tpu.memref_slice %arg8[%mul3A_55, %dma_wait3A_97] : memref<250x80xi32, #tpu.memory_space<vmem>> -> memref<1x80xi32, #tpu.memory_space<vmem>>
        %dma_wait3A_99 = tpu.memref_squeeze %dma_wait3A_98 : memref<1x80xi32, #tpu.memory_space<vmem>> -> memref<80xi32, #tpu.memory_space<vmem>>
        %dma_wait3A_100 = arith.constant 0 : i32
        %dma_wait3A_101 = arith.constant 0 : i32
        %dma_wait3A_102 = tpu.memref_slice %arg11[%dma_wait3A_100, %dma_wait3A_101] : memref<5248x128xf32, #tpu.memory_space<vmem_shared>> -> memref<5248x128xf32, #tpu.memory_space<vmem_shared>>
        tpu.wait_indirect_dma semaphore(%run_scoped3A_90 : memref<!tpu.dma_semaphore, #tpu.memory_space<semaphore_mem>>) src(%arg9 : memref<80x128xf32, #tpu.memory_space<vmem>>) dst(%dma_wait3A_102 : memref<5248x128xf32, #tpu.memory_space<vmem_shared>>)
        tpu.yield
      }) : () -> ()
      %mul3A_56 = arith.constant 2 : i32
      %mul3A_57 = arith.muli %mul3A_56, %scan3A_45 : i32
      %add3A_58 = arith.constant 2 : i32
      %add3A_59 = arith.addi %mul3A_57, %add3A_58 : i32
      %dma_start3A_60 = arith.constant 0 : i32
      %dma_start3A_61 = tpu.memref_slice %arg7[%add3A_59, %dma_start3A_60] : memref<250x80xi32, #tpu.memory_space<vmem>> -> memref<1x80xi32, #tpu.memory_space<vmem>>
      %dma_start3A_62 = tpu.memref_squeeze %dma_start3A_61 : memref<1x80xi32, #tpu.memory_space<vmem>> -> memref<80xi32, #tpu.memory_space<vmem>>
      %dma_start3A_63 = arith.constant 0 : i32
      %dma_start3A_64 = arith.constant 0 : i32
      %dma_start3A_65 = tpu.memref_slice %arg2[%dma_start3A_63, %dma_start3A_64] : memref<10240x128xf32, #tpu.memory_space<hbm>> -> memref<10240x128xf32, #tpu.memory_space<hbm>>
      tpu.enqueue_indirect_dma source(%dma_start3A_65 : memref<10240x128xf32, #tpu.memory_space<hbm>>) target(%arg9 : memref<80x128xf32, #tpu.memory_space<vmem>>) offsets(%dma_start3A_62 : memref<80xi32, #tpu.memory_space<vmem>>) semaphore(%arg12 : memref<!tpu.dma_semaphore, #tpu.memory_space<semaphore_mem>>)
      %mul3A_66 = arith.constant 2 : i32
      %mul3A_67 = arith.muli %mul3A_66, %scan3A_45 : i32
      %add3A_68 = arith.constant 1 : i32
      %add3A_69 = arith.addi %mul3A_67, %add3A_68 : i32
      %dma_wait3A_70 = arith.constant 0 : i32
      %dma_wait3A_71 = tpu.memref_slice %arg7[%add3A_69, %dma_wait3A_70] : memref<250x80xi32, #tpu.memory_space<vmem>> -> memref<1x80xi32, #tpu.memory_space<vmem>>
      %dma_wait3A_72 = tpu.memref_squeeze %dma_wait3A_71 : memref<1x80xi32, #tpu.memory_space<vmem>> -> memref<80xi32, #tpu.memory_space<vmem>>
      %dma_wait3A_73 = arith.constant 0 : i32
      %dma_wait3A_74 = arith.constant 0 : i32
      %dma_wait3A_75 = tpu.memref_slice %arg2[%dma_wait3A_73, %dma_wait3A_74] : memref<10240x128xf32, #tpu.memory_space<hbm>> -> memref<10240x128xf32, #tpu.memory_space<hbm>>
      tpu.wait_indirect_dma semaphore(%arg13 : memref<!tpu.dma_semaphore, #tpu.memory_space<semaphore_mem>>) src(%dma_wait3A_75 : memref<10240x128xf32, #tpu.memory_space<hbm>>) dst(%arg10 : memref<80x128xf32, #tpu.memory_space<vmem>>)
      %mul3A_76 = arith.constant 2 : i32
      %mul3A_77 = arith.muli %mul3A_76, %scan3A_45 : i32
      %add3A_78 = arith.constant 1 : i32
      %add3A_79 = arith.addi %mul3A_77, %add3A_78 : i32
      "tpu.region"() ({
        %run_scoped3A_90 = tpu.sem_alloc : memref<!tpu.dma_semaphore, #tpu.memory_space<semaphore_mem>>
        %dma_start3A_91 = arith.constant 0 : i32
        %dma_start3A_92 = tpu.memref_slice %arg8[%add3A_79, %dma_start3A_91] : memref<250x80xi32, #tpu.memory_space<vmem>> -> memref<1x80xi32, #tpu.memory_space<vmem>>
        %dma_start3A_93 = tpu.memref_squeeze %dma_start3A_92 : memref<1x80xi32, #tpu.memory_space<vmem>> -> memref<80xi32, #tpu.memory_space<vmem>>
        %dma_start3A_94 = arith.constant 0 : i32
        %dma_start3A_95 = arith.constant 0 : i32
        %dma_start3A_96 = tpu.memref_slice %arg11[%dma_start3A_94, %dma_start3A_95] : memref<5248x128xf32, #tpu.memory_space<vmem_shared>> -> memref<5248x128xf32, #tpu.memory_space<vmem_shared>>
        tpu.enqueue_indirect_dma source(%arg10 : memref<80x128xf32, #tpu.memory_space<vmem>>) target(%dma_start3A_96 : memref<5248x128xf32, #tpu.memory_space<vmem_shared>>) offsets(%dma_start3A_93 : memref<80xi32, #tpu.memory_space<vmem>>) semaphore(%run_scoped3A_90 : memref<!tpu.dma_semaphore, #tpu.memory_space<semaphore_mem>>) {add = true}
        %dma_wait3A_97 = arith.constant 0 : i32
        %dma_wait3A_98 = tpu.memref_slice %arg8[%add3A_79, %dma_wait3A_97] : memref<250x80xi32, #tpu.memory_space<vmem>> -> memref<1x80xi32, #tpu.memory_space<vmem>>
        %dma_wait3A_99 = tpu.memref_squeeze %dma_wait3A_98 : memref<1x80xi32, #tpu.memory_space<vmem>> -> memref<80xi32, #tpu.memory_space<vmem>>
        %dma_wait3A_100 = arith.constant 0 : i32
        %dma_wait3A_101 = arith.constant 0 : i32
        %dma_wait3A_102 = tpu.memref_slice %arg11[%dma_wait3A_100, %dma_wait3A_101] : memref<5248x128xf32, #tpu.memory_space<vmem_shared>> -> memref<5248x128xf32, #tpu.memory_space<vmem_shared>>
        tpu.wait_indirect_dma semaphore(%run_scoped3A_90 : memref<!tpu.dma_semaphore, #tpu.memory_space<semaphore_mem>>) src(%arg10 : memref<80x128xf32, #tpu.memory_space<vmem>>) dst(%dma_wait3A_102 : memref<5248x128xf32, #tpu.memory_space<vmem_shared>>)
        tpu.yield
      }) : () -> ()
      %mul3A_80 = arith.constant 2 : i32
      %mul3A_81 = arith.muli %mul3A_80, %scan3A_45 : i32
      %add3A_82 = arith.constant 3 : i32
      %add3A_83 = arith.addi %mul3A_81, %add3A_82 : i32
      %dma_start3A_84 = arith.constant 0 : i32
      %dma_start3A_85 = tpu.memref_slice %arg7[%add3A_83, %dma_start3A_84] : memref<250x80xi32, #tpu.memory_space<vmem>> -> memref<1x80xi32, #tpu.memory_space<vmem>>
      %dma_start3A_86 = tpu.memref_squeeze %dma_start3A_85 : memref<1x80xi32, #tpu.memory_space<vmem>> -> memref<80xi32, #tpu.memory_space<vmem>>
      %dma_start3A_87 = arith.constant 0 : i32
      %dma_start3A_88 = arith.constant 0 : i32
      %dma_start3A_89 = tpu.memref_slice %arg2[%dma_start3A_87, %dma_start3A_88] : memref<10240x128xf32, #tpu.memory_space<hbm>> -> memref<10240x128xf32, #tpu.memory_space<hbm>>
      tpu.enqueue_indirect_dma source(%dma_start3A_89 : memref<10240x128xf32, #tpu.memory_space<hbm>>) target(%arg10 : memref<80x128xf32, #tpu.memory_space<vmem>>) offsets(%dma_start3A_86 : memref<80xi32, #tpu.memory_space<vmem>>) semaphore(%arg13 : memref<!tpu.dma_semaphore, #tpu.memory_space<semaphore_mem>>)
    }
    %scan3A_20 = arith.constant 124 : i32
    %dma_wait3A = arith.constant 248 : i32
    %dma_wait3A_21 = arith.constant 0 : i32
    %dma_wait3A_22 = tpu.memref_slice %arg7[%dma_wait3A, %dma_wait3A_21] : memref<250x80xi32, #tpu.memory_space<vmem>> -> memref<1x80xi32, #tpu.memory_space<vmem>>
    %dma_wait3A_23 = tpu.memref_squeeze %dma_wait3A_22 : memref<1x80xi32, #tpu.memory_space<vmem>> -> memref<80xi32, #tpu.memory_space<vmem>>
    %dma_wait3A_24 = arith.constant 0 : i32
    %dma_wait3A_25 = arith.constant 0 : i32
    %dma_wait3A_26 = tpu.memref_slice %arg2[%dma_wait3A_24, %dma_wait3A_25] : memref<10240x128xf32, #tpu.memory_space<hbm>> -> memref<10240x128xf32, #tpu.memory_space<hbm>>
    tpu.wait_indirect_dma semaphore(%arg12 : memref<!tpu.dma_semaphore, #tpu.memory_space<semaphore_mem>>) src(%dma_wait3A_26 : memref<10240x128xf32, #tpu.memory_space<hbm>>) dst(%arg9 : memref<80x128xf32, #tpu.memory_space<vmem>>)
    %run_scoped3A_27 = arith.constant 248 : i32
    "tpu.region"() ({
      %run_scoped3A_45 = tpu.sem_alloc : memref<!tpu.dma_semaphore, #tpu.memory_space<semaphore_mem>>
      %dma_start3A_46 = arith.constant 0 : i32
      %dma_start3A_47 = tpu.memref_slice %arg8[%run_scoped3A_27, %dma_start3A_46] : memref<250x80xi32, #tpu.memory_space<vmem>> -> memref<1x80xi32, #tpu.memory_space<vmem>>
      %dma_start3A_48 = tpu.memref_squeeze %dma_start3A_47 : memref<1x80xi32, #tpu.memory_space<vmem>> -> memref<80xi32, #tpu.memory_space<vmem>>
      %dma_start3A_49 = arith.constant 0 : i32
      %dma_start3A_50 = arith.constant 0 : i32
      %dma_start3A_51 = tpu.memref_slice %arg11[%dma_start3A_49, %dma_start3A_50] : memref<5248x128xf32, #tpu.memory_space<vmem_shared>> -> memref<5248x128xf32, #tpu.memory_space<vmem_shared>>
      tpu.enqueue_indirect_dma source(%arg9 : memref<80x128xf32, #tpu.memory_space<vmem>>) target(%dma_start3A_51 : memref<5248x128xf32, #tpu.memory_space<vmem_shared>>) offsets(%dma_start3A_48 : memref<80xi32, #tpu.memory_space<vmem>>) semaphore(%run_scoped3A_45 : memref<!tpu.dma_semaphore, #tpu.memory_space<semaphore_mem>>) {add = true}
      %dma_wait3A_52 = arith.constant 0 : i32
      %dma_wait3A_53 = tpu.memref_slice %arg8[%run_scoped3A_27, %dma_wait3A_52] : memref<250x80xi32, #tpu.memory_space<vmem>> -> memref<1x80xi32, #tpu.memory_space<vmem>>
      %dma_wait3A_54 = tpu.memref_squeeze %dma_wait3A_53 : memref<1x80xi32, #tpu.memory_space<vmem>> -> memref<80xi32, #tpu.memory_space<vmem>>
      %dma_wait3A_55 = arith.constant 0 : i32
      %dma_wait3A_56 = arith.constant 0 : i32
      %dma_wait3A_57 = tpu.memref_slice %arg11[%dma_wait3A_55, %dma_wait3A_56] : memref<5248x128xf32, #tpu.memory_space<vmem_shared>> -> memref<5248x128xf32, #tpu.memory_space<vmem_shared>>
      tpu.wait_indirect_dma semaphore(%run_scoped3A_45 : memref<!tpu.dma_semaphore, #tpu.memory_space<semaphore_mem>>) src(%arg9 : memref<80x128xf32, #tpu.memory_space<vmem>>) dst(%dma_wait3A_57 : memref<5248x128xf32, #tpu.memory_space<vmem_shared>>)
      tpu.yield
    }) : () -> ()
    %dma_wait3A_28 = arith.constant 249 : i32
    %dma_wait3A_29 = arith.constant 0 : i32
    %dma_wait3A_30 = tpu.memref_slice %arg7[%dma_wait3A_28, %dma_wait3A_29] : memref<250x80xi32, #tpu.memory_space<vmem>> -> memref<1x80xi32, #tpu.memory_space<vmem>>
    %dma_wait3A_31 = tpu.memref_squeeze %dma_wait3A_30 : memref<1x80xi32, #tpu.memory_space<vmem>> -> memref<80xi32, #tpu.memory_space<vmem>>
    %dma_wait3A_32 = arith.constant 0 : i32
    %dma_wait3A_33 = arith.constant 0 : i32
    %dma_wait3A_34 = tpu.memref_slice %arg2[%dma_wait3A_32, %dma_wait3A_33] : memref<10240x128xf32, #tpu.memory_space<hbm>> -> memref<10240x128xf32, #tpu.memory_space<hbm>>
    tpu.wait_indirect_dma semaphore(%arg13 : memref<!tpu.dma_semaphore, #tpu.memory_space<semaphore_mem>>) src(%dma_wait3A_34 : memref<10240x128xf32, #tpu.memory_space<hbm>>) dst(%arg10 : memref<80x128xf32, #tpu.memory_space<vmem>>)
    %run_scoped3A_35 = arith.constant 249 : i32
    "tpu.region"() ({
      %run_scoped3A_45 = tpu.sem_alloc : memref<!tpu.dma_semaphore, #tpu.memory_space<semaphore_mem>>
      %dma_start3A_46 = arith.constant 0 : i32
      %dma_start3A_47 = tpu.memref_slice %arg8[%run_scoped3A_35, %dma_start3A_46] : memref<250x80xi32, #tpu.memory_space<vmem>> -> memref<1x80xi32, #tpu.memory_space<vmem>>
      %dma_start3A_48 = tpu.memref_squeeze %dma_start3A_47 : memref<1x80xi32, #tpu.memory_space<vmem>> -> memref<80xi32, #tpu.memory_space<vmem>>
      %dma_start3A_49 = arith.constant 0 : i32
      %dma_start3A_50 = arith.constant 0 : i32
      %dma_start3A_51 = tpu.memref_slice %arg11[%dma_start3A_49, %dma_start3A_50] : memref<5248x128xf32, #tpu.memory_space<vmem_shared>> -> memref<5248x128xf32, #tpu.memory_space<vmem_shared>>
      tpu.enqueue_indirect_dma source(%arg10 : memref<80x128xf32, #tpu.memory_space<vmem>>) target(%dma_start3A_51 : memref<5248x128xf32, #tpu.memory_space<vmem_shared>>) offsets(%dma_start3A_48 : memref<80xi32, #tpu.memory_space<vmem>>) semaphore(%run_scoped3A_45 : memref<!tpu.dma_semaphore, #tpu.memory_space<semaphore_mem>>) {add = true}
      %dma_wait3A_52 = arith.constant 0 : i32
      %dma_wait3A_53 = tpu.memref_slice %arg8[%run_scoped3A_35, %dma_wait3A_52] : memref<250x80xi32, #tpu.memory_space<vmem>> -> memref<1x80xi32, #tpu.memory_space<vmem>>
      %dma_wait3A_54 = tpu.memref_squeeze %dma_wait3A_53 : memref<1x80xi32, #tpu.memory_space<vmem>> -> memref<80xi32, #tpu.memory_space<vmem>>
      %dma_wait3A_55 = arith.constant 0 : i32
      %dma_wait3A_56 = arith.constant 0 : i32
      %dma_wait3A_57 = tpu.memref_slice %arg11[%dma_wait3A_55, %dma_wait3A_56] : memref<5248x128xf32, #tpu.memory_space<vmem_shared>> -> memref<5248x128xf32, #tpu.memory_space<vmem_shared>>
      tpu.wait_indirect_dma semaphore(%run_scoped3A_45 : memref<!tpu.dma_semaphore, #tpu.memory_space<semaphore_mem>>) src(%arg10 : memref<80x128xf32, #tpu.memory_space<vmem>>) dst(%dma_wait3A_57 : memref<5248x128xf32, #tpu.memory_space<vmem_shared>>)
      tpu.yield
    }) : () -> ()
    %barrier3A_36 = arith.constant 0 : index
    tpu.barrier barrier_id(%barrier3A_36)
    %mul3A_37 = arith.constant 320 : i32
    %mul3A_38 = arith.muli %arg1, %mul3A_37 : i32
    %mul3A_39 = arith.constant 5120 : i32
    %mul3A_40 = arith.muli %arg0, %mul3A_39 : i32
    %add3A = arith.constant 0 : i32
    %add3A_41 = arith.addi %add3A, %mul3A_40 : i32
    %mul3A_42 = arith.constant 320 : i32
    %mul3A_43 = arith.muli %arg1, %mul3A_42 : i32
    %add3A_44 = arith.addi %add3A_41, %mul3A_43 : i32
    "tpu.region"() ({
      %run_scoped3A_45 = tpu.sem_alloc : memref<!tpu.dma_semaphore, #tpu.memory_space<semaphore_mem>>
      %dma_start3A_46 = arith.constant 0 : i32
      %dma_start3A_47 = tpu.memref_slice %arg6[%add3A_44, %dma_start3A_46] : memref<10240x128xf32, #tpu.memory_space<hbm>> -> memref<320x128xf32, #tpu.memory_space<hbm>>
      %dma_start3A_48 = arith.constant 0 : i32
      %dma_start3A_49 = tpu.memref_slice %arg11[%mul3A_38, %dma_start3A_48] : memref<5248x128xf32, #tpu.memory_space<vmem_shared>> -> memref<320x128xf32, #tpu.memory_space<vmem_shared>>
      tpu.enqueue_dma source(%dma_start3A_49 : memref<320x128xf32, #tpu.memory_space<vmem_shared>>) target(%dma_start3A_47 : memref<320x128xf32, #tpu.memory_space<hbm>>) target_semaphore(%run_scoped3A_45 : memref<!tpu.dma_semaphore, #tpu.memory_space<semaphore_mem>>)
      %dma_wait3A_50 = arith.constant 0 : i32
      %dma_wait3A_51 = tpu.memref_slice %arg6[%add3A_44, %dma_wait3A_50] : memref<10240x128xf32, #tpu.memory_space<hbm>> -> memref<320x128xf32, #tpu.memory_space<hbm>>
      %dma_wait3A_52 = arith.constant 0 : i32
      %dma_wait3A_53 = tpu.memref_slice %arg11[%mul3A_38, %dma_wait3A_52] : memref<5248x128xf32, #tpu.memory_space<vmem_shared>> -> memref<320x128xf32, #tpu.memory_space<vmem_shared>>
      tpu.wait_dma2 semaphore(%run_scoped3A_45 : memref<!tpu.dma_semaphore, #tpu.memory_space<semaphore_mem>>) src(%dma_wait3A_53 : memref<320x128xf32, #tpu.memory_space<vmem_shared>>) dst(%dma_wait3A_51 : memref<320x128xf32, #tpu.memory_space<hbm>>)
      tpu.yield
    }) : () -> ()
    return
  }
}

#map = affine_map<(d0, d1) -> (0, 0)>
#map1 = affine_map<(d0, d1) -> (0, 0, 0)>
module attributes {stable_mosaic.version = 14 : i64} {
  func.func @pool(%arg0: i32, %arg1: i32, %arg2: memref<20480x128xf32, #tpu.memory_space<hbm>>, %arg3: memref<16x5x128xi32, #tpu.memory_space<hbm>>, %arg4: memref<72x128xf32, #tpu.memory_space<hbm>>, %arg5: memref<128x128xf32, #tpu.memory_space<hbm>>, %arg6: memref<2x72x128xf32, #tpu.memory_space<hbm>>, %arg7: memref<72x128xf32, #tpu.memory_space<hbm>>, %arg8: memref<5x128xi32, #tpu.memory_space<vmem>>, %arg9: memref<128x128xf32, #tpu.memory_space<vmem>>, %arg10: memref<128x128xf32, #tpu.memory_space<vmem>>, %arg11: memref<72x128xf32, #tpu.memory_space<vmem_shared>>, %arg12: memref<72x128xf32, #tpu.memory_space<vmem_shared>>, %arg13: memref<!tpu.dma_semaphore, #tpu.memory_space<semaphore_mem>>) attributes {dimension_semantics = [#tpu.dimension_semantics<core_parallel>, #tpu.dimension_semantics<subcore_parallel>], iteration_bounds = array<i64: 2, 16>, scalar_prefetch = 0 : i64, scratch_operands = 6 : i64, tpu.core_type = #tpu.core_type<sc_vector_subcore>, window_params = [{transform_indices = #map}, {transform_indices = #map1}, {transform_indices = #map}, {transform_indices = #map}, {transform_indices = #map1}, {transform_indices = #map}]} {
    %eq3A = arith.constant 0 : i32
    %eq3A_0 = arith.cmpi eq, %arg1, %eq3A : i32
    %convert_element_type3A = arith.extui %eq3A_0 : i1 to i32
    %cond3A = arith.constant 0 : i32
    %cond3A_1 = arith.cmpi ne, %convert_element_type3A, %cond3A : i32
    scf.if %cond3A_1 {
      "tpu.region"() ({
        %run_scoped3A = tpu.sem_alloc : memref<!tpu.dma_semaphore, #tpu.memory_space<semaphore_mem>>
        tpu.enqueue_dma source(%arg4 : memref<72x128xf32, #tpu.memory_space<hbm>>) target(%arg11 : memref<72x128xf32, #tpu.memory_space<vmem_shared>>) target_semaphore(%run_scoped3A : memref<!tpu.dma_semaphore, #tpu.memory_space<semaphore_mem>>)
        tpu.wait_dma2 semaphore(%run_scoped3A : memref<!tpu.dma_semaphore, #tpu.memory_space<semaphore_mem>>) src(%arg4 : memref<72x128xf32, #tpu.memory_space<hbm>>) dst(%arg11 : memref<72x128xf32, #tpu.memory_space<vmem_shared>>)
        tpu.yield
      }) : () -> ()
      "tpu.region"() ({
        %run_scoped3A = tpu.sem_alloc : memref<!tpu.dma_semaphore, #tpu.memory_space<semaphore_mem>>
        tpu.enqueue_dma source(%arg4 : memref<72x128xf32, #tpu.memory_space<hbm>>) target(%arg12 : memref<72x128xf32, #tpu.memory_space<vmem_shared>>) target_semaphore(%run_scoped3A : memref<!tpu.dma_semaphore, #tpu.memory_space<semaphore_mem>>)
        tpu.wait_dma2 semaphore(%run_scoped3A : memref<!tpu.dma_semaphore, #tpu.memory_space<semaphore_mem>>) src(%arg4 : memref<72x128xf32, #tpu.memory_space<hbm>>) dst(%arg12 : memref<72x128xf32, #tpu.memory_space<vmem_shared>>)
        tpu.yield
      }) : () -> ()
    } else {
    }
    "tpu.region"() ({
      %run_scoped3A = tpu.sem_alloc : memref<!tpu.dma_semaphore, #tpu.memory_space<semaphore_mem>>
      %dma_start3A = arith.constant 0 : i32
      %dma_start3A_20 = arith.constant 0 : i32
      %dma_start3A_21 = tpu.memref_slice %arg3[%arg1, %dma_start3A, %dma_start3A_20] : memref<16x5x128xi32, #tpu.memory_space<hbm>> -> memref<1x5x128xi32, #tpu.memory_space<hbm>>
      %dma_start3A_22 = tpu.memref_squeeze %dma_start3A_21 : memref<1x5x128xi32, #tpu.memory_space<hbm>> -> memref<5x128xi32, #tpu.memory_space<hbm>>
      %dma_start3A_23 = arith.constant 0 : i32
      %dma_start3A_24 = arith.constant 0 : i32
      %dma_start3A_25 = tpu.memref_slice %arg3[%arg1, %dma_start3A_23, %dma_start3A_24] : memref<16x5x128xi32, #tpu.memory_space<hbm>> -> memref<1x5x128xi32, #tpu.memory_space<hbm>>
      %dma_start3A_26 = tpu.memref_squeeze %dma_start3A_25 : memref<1x5x128xi32, #tpu.memory_space<hbm>> -> memref<5x128xi32, #tpu.memory_space<hbm>>
      tpu.enqueue_dma source(%dma_start3A_26 : memref<5x128xi32, #tpu.memory_space<hbm>>) target(%arg8 : memref<5x128xi32, #tpu.memory_space<vmem>>) target_semaphore(%run_scoped3A : memref<!tpu.dma_semaphore, #tpu.memory_space<semaphore_mem>>)
      %dma_wait3A = arith.constant 0 : i32
      %dma_wait3A_27 = arith.constant 0 : i32
      %dma_wait3A_28 = tpu.memref_slice %arg3[%arg1, %dma_wait3A, %dma_wait3A_27] : memref<16x5x128xi32, #tpu.memory_space<hbm>> -> memref<1x5x128xi32, #tpu.memory_space<hbm>>
      %dma_wait3A_29 = tpu.memref_squeeze %dma_wait3A_28 : memref<1x5x128xi32, #tpu.memory_space<hbm>> -> memref<5x128xi32, #tpu.memory_space<hbm>>
      %dma_wait3A_30 = arith.constant 0 : i32
      %dma_wait3A_31 = arith.constant 0 : i32
      %dma_wait3A_32 = tpu.memref_slice %arg3[%arg1, %dma_wait3A_30, %dma_wait3A_31] : memref<16x5x128xi32, #tpu.memory_space<hbm>> -> memref<1x5x128xi32, #tpu.memory_space<hbm>>
      %dma_wait3A_33 = tpu.memref_squeeze %dma_wait3A_32 : memref<1x5x128xi32, #tpu.memory_space<hbm>> -> memref<5x128xi32, #tpu.memory_space<hbm>>
      tpu.wait_dma2 semaphore(%run_scoped3A : memref<!tpu.dma_semaphore, #tpu.memory_space<semaphore_mem>>) src(%dma_wait3A_33 : memref<5x128xi32, #tpu.memory_space<hbm>>) dst(%arg8 : memref<5x128xi32, #tpu.memory_space<vmem>>)
      tpu.yield
    }) : () -> ()
    "tpu.region"() ({
      %run_scoped3A = tpu.sem_alloc : memref<!tpu.dma_semaphore, #tpu.memory_space<semaphore_mem>>
      tpu.enqueue_dma source(%arg5 : memref<128x128xf32, #tpu.memory_space<hbm>>) target(%arg10 : memref<128x128xf32, #tpu.memory_space<vmem>>) target_semaphore(%run_scoped3A : memref<!tpu.dma_semaphore, #tpu.memory_space<semaphore_mem>>)
      tpu.wait_dma2 semaphore(%run_scoped3A : memref<!tpu.dma_semaphore, #tpu.memory_space<semaphore_mem>>) src(%arg5 : memref<128x128xf32, #tpu.memory_space<hbm>>) dst(%arg10 : memref<128x128xf32, #tpu.memory_space<vmem>>)
      tpu.yield
    }) : () -> ()
    %barrier3A = arith.constant 0 : index
    tpu.barrier barrier_id(%barrier3A)
    %scan3A = arith.constant 0 : i32
    %scan3A_2 = arith.constant 0 : i32
    %scan3A_3 = arith.constant 5 : i32
    %scan3A_4 = arith.addi %scan3A_2, %scan3A_3 : i32
    %scan3A_5 = arith.constant 1 : i32
    scf.for %scan3A_20 = %scan3A_2 to %scan3A_4 step %scan3A_5  : i32 {
      %mul3A = arith.constant 10240 : i32
      %mul3A_21 = arith.muli %arg0, %mul3A : i32
      %mul3A_22 = arith.constant 640 : i32
      %mul3A_23 = arith.muli %arg1, %mul3A_22 : i32
      %add3A = arith.addi %mul3A_21, %mul3A_23 : i32
      %mul3A_24 = arith.constant 128 : i32
      %mul3A_25 = arith.muli %scan3A_20, %mul3A_24 : i32
      %add3A_26 = arith.addi %add3A, %mul3A_25 : i32
      %dma_start3A = arith.constant 0 : i32
      %dma_start3A_27 = tpu.memref_slice %arg2[%add3A_26, %dma_start3A] : memref<20480x128xf32, #tpu.memory_space<hbm>> -> memref<128x128xf32, #tpu.memory_space<hbm>>
      %dma_start3A_28 = arith.constant 0 : i32
      %dma_start3A_29 = tpu.memref_slice %arg2[%add3A_26, %dma_start3A_28] : memref<20480x128xf32, #tpu.memory_space<hbm>> -> memref<128x128xf32, #tpu.memory_space<hbm>>
      tpu.enqueue_dma source(%dma_start3A_29 : memref<128x128xf32, #tpu.memory_space<hbm>>) target(%arg9 : memref<128x128xf32, #tpu.memory_space<vmem>>) target_semaphore(%arg13 : memref<!tpu.dma_semaphore, #tpu.memory_space<semaphore_mem>>)
      %dma_wait3A = arith.constant 0 : i32
      %dma_wait3A_30 = tpu.memref_slice %arg2[%add3A_26, %dma_wait3A] : memref<20480x128xf32, #tpu.memory_space<hbm>> -> memref<128x128xf32, #tpu.memory_space<hbm>>
      %dma_wait3A_31 = arith.constant 0 : i32
      %dma_wait3A_32 = tpu.memref_slice %arg2[%add3A_26, %dma_wait3A_31] : memref<20480x128xf32, #tpu.memory_space<hbm>> -> memref<128x128xf32, #tpu.memory_space<hbm>>
      tpu.wait_dma2 semaphore(%arg13 : memref<!tpu.dma_semaphore, #tpu.memory_space<semaphore_mem>>) src(%dma_wait3A_32 : memref<128x128xf32, #tpu.memory_space<hbm>>) dst(%arg9 : memref<128x128xf32, #tpu.memory_space<vmem>>)
      "tpu.region"() ({
        %run_scoped3A = tpu.sem_alloc : memref<!tpu.dma_semaphore, #tpu.memory_space<semaphore_mem>>
        %dma_start3A_38 = arith.constant 0 : i32
        %dma_start3A_39 = tpu.memref_slice %arg8[%scan3A_20, %dma_start3A_38] : memref<5x128xi32, #tpu.memory_space<vmem>> -> memref<1x128xi32, #tpu.memory_space<vmem>>
        %dma_start3A_40 = tpu.memref_squeeze %dma_start3A_39 : memref<1x128xi32, #tpu.memory_space<vmem>> -> memref<128xi32, #tpu.memory_space<vmem>>
        %dma_start3A_41 = arith.constant 0 : i32
        %dma_start3A_42 = arith.constant 0 : i32
        %dma_start3A_43 = tpu.memref_slice %arg11[%dma_start3A_41, %dma_start3A_42] : memref<72x128xf32, #tpu.memory_space<vmem_shared>> -> memref<72x128xf32, #tpu.memory_space<vmem_shared>>
        tpu.enqueue_indirect_dma source(%arg9 : memref<128x128xf32, #tpu.memory_space<vmem>>) target(%dma_start3A_43 : memref<72x128xf32, #tpu.memory_space<vmem_shared>>) offsets(%dma_start3A_40 : memref<128xi32, #tpu.memory_space<vmem>>) semaphore(%run_scoped3A : memref<!tpu.dma_semaphore, #tpu.memory_space<semaphore_mem>>) {add = true}
        %dma_wait3A_44 = arith.constant 0 : i32
        %dma_wait3A_45 = tpu.memref_slice %arg8[%scan3A_20, %dma_wait3A_44] : memref<5x128xi32, #tpu.memory_space<vmem>> -> memref<1x128xi32, #tpu.memory_space<vmem>>
        %dma_wait3A_46 = tpu.memref_squeeze %dma_wait3A_45 : memref<1x128xi32, #tpu.memory_space<vmem>> -> memref<128xi32, #tpu.memory_space<vmem>>
        %dma_wait3A_47 = arith.constant 0 : i32
        %dma_wait3A_48 = arith.constant 0 : i32
        %dma_wait3A_49 = tpu.memref_slice %arg11[%dma_wait3A_47, %dma_wait3A_48] : memref<72x128xf32, #tpu.memory_space<vmem_shared>> -> memref<72x128xf32, #tpu.memory_space<vmem_shared>>
        tpu.wait_indirect_dma semaphore(%run_scoped3A : memref<!tpu.dma_semaphore, #tpu.memory_space<semaphore_mem>>) src(%arg9 : memref<128x128xf32, #tpu.memory_space<vmem>>) dst(%dma_wait3A_49 : memref<72x128xf32, #tpu.memory_space<vmem_shared>>)
        tpu.yield
      }) : () -> ()
      %eq3A_33 = arith.constant 0 : i32
      %eq3A_34 = arith.cmpi eq, %arg0, %eq3A_33 : i32
      %convert_element_type3A_35 = arith.extui %eq3A_34 : i1 to i32
      %cond3A_36 = arith.constant 0 : i32
      %cond3A_37 = arith.cmpi ne, %convert_element_type3A_35, %cond3A_36 : i32
      scf.if %cond3A_37 {
        "tpu.region"() ({
          %run_scoped3A = tpu.sem_alloc : memref<!tpu.dma_semaphore, #tpu.memory_space<semaphore_mem>>
          %dma_start3A_38 = arith.constant 0 : i32
          %dma_start3A_39 = tpu.memref_slice %arg8[%scan3A_20, %dma_start3A_38] : memref<5x128xi32, #tpu.memory_space<vmem>> -> memref<1x128xi32, #tpu.memory_space<vmem>>
          %dma_start3A_40 = tpu.memref_squeeze %dma_start3A_39 : memref<1x128xi32, #tpu.memory_space<vmem>> -> memref<128xi32, #tpu.memory_space<vmem>>
          %dma_start3A_41 = arith.constant 0 : i32
          %dma_start3A_42 = arith.constant 0 : i32
          %dma_start3A_43 = tpu.memref_slice %arg12[%dma_start3A_41, %dma_start3A_42] : memref<72x128xf32, #tpu.memory_space<vmem_shared>> -> memref<72x128xf32, #tpu.memory_space<vmem_shared>>
          tpu.enqueue_indirect_dma source(%arg10 : memref<128x128xf32, #tpu.memory_space<vmem>>) target(%dma_start3A_43 : memref<72x128xf32, #tpu.memory_space<vmem_shared>>) offsets(%dma_start3A_40 : memref<128xi32, #tpu.memory_space<vmem>>) semaphore(%run_scoped3A : memref<!tpu.dma_semaphore, #tpu.memory_space<semaphore_mem>>) {add = true}
          %dma_wait3A_44 = arith.constant 0 : i32
          %dma_wait3A_45 = tpu.memref_slice %arg8[%scan3A_20, %dma_wait3A_44] : memref<5x128xi32, #tpu.memory_space<vmem>> -> memref<1x128xi32, #tpu.memory_space<vmem>>
          %dma_wait3A_46 = tpu.memref_squeeze %dma_wait3A_45 : memref<1x128xi32, #tpu.memory_space<vmem>> -> memref<128xi32, #tpu.memory_space<vmem>>
          %dma_wait3A_47 = arith.constant 0 : i32
          %dma_wait3A_48 = arith.constant 0 : i32
          %dma_wait3A_49 = tpu.memref_slice %arg12[%dma_wait3A_47, %dma_wait3A_48] : memref<72x128xf32, #tpu.memory_space<vmem_shared>> -> memref<72x128xf32, #tpu.memory_space<vmem_shared>>
          tpu.wait_indirect_dma semaphore(%run_scoped3A : memref<!tpu.dma_semaphore, #tpu.memory_space<semaphore_mem>>) src(%arg10 : memref<128x128xf32, #tpu.memory_space<vmem>>) dst(%dma_wait3A_49 : memref<72x128xf32, #tpu.memory_space<vmem_shared>>)
          tpu.yield
        }) : () -> ()
      } else {
      }
    }
    %scan3A_6 = arith.constant 5 : i32
    %barrier3A_7 = arith.constant 0 : index
    tpu.barrier barrier_id(%barrier3A_7)
    %eq3A_8 = arith.constant 0 : i32
    %eq3A_9 = arith.cmpi eq, %arg1, %eq3A_8 : i32
    %convert_element_type3A_10 = arith.extui %eq3A_9 : i1 to i32
    %cond3A_11 = arith.constant 0 : i32
    %cond3A_12 = arith.cmpi ne, %convert_element_type3A_10, %cond3A_11 : i32
    scf.if %cond3A_12 {
      "tpu.region"() ({
        %run_scoped3A = tpu.sem_alloc : memref<!tpu.dma_semaphore, #tpu.memory_space<semaphore_mem>>
        %dma_start3A = arith.constant 0 : i32
        %dma_start3A_20 = arith.constant 0 : i32
        %dma_start3A_21 = tpu.memref_slice %arg6[%arg0, %dma_start3A, %dma_start3A_20] : memref<2x72x128xf32, #tpu.memory_space<hbm>> -> memref<1x72x128xf32, #tpu.memory_space<hbm>>
        %dma_start3A_22 = tpu.memref_squeeze %dma_start3A_21 : memref<1x72x128xf32, #tpu.memory_space<hbm>> -> memref<72x128xf32, #tpu.memory_space<hbm>>
        tpu.enqueue_dma source(%arg11 : memref<72x128xf32, #tpu.memory_space<vmem_shared>>) target(%dma_start3A_22 : memref<72x128xf32, #tpu.memory_space<hbm>>) target_semaphore(%run_scoped3A : memref<!tpu.dma_semaphore, #tpu.memory_space<semaphore_mem>>)
        %dma_wait3A = arith.constant 0 : i32
        %dma_wait3A_23 = arith.constant 0 : i32
        %dma_wait3A_24 = tpu.memref_slice %arg6[%arg0, %dma_wait3A, %dma_wait3A_23] : memref<2x72x128xf32, #tpu.memory_space<hbm>> -> memref<1x72x128xf32, #tpu.memory_space<hbm>>
        %dma_wait3A_25 = tpu.memref_squeeze %dma_wait3A_24 : memref<1x72x128xf32, #tpu.memory_space<hbm>> -> memref<72x128xf32, #tpu.memory_space<hbm>>
        tpu.wait_dma2 semaphore(%run_scoped3A : memref<!tpu.dma_semaphore, #tpu.memory_space<semaphore_mem>>) src(%arg11 : memref<72x128xf32, #tpu.memory_space<vmem_shared>>) dst(%dma_wait3A_25 : memref<72x128xf32, #tpu.memory_space<hbm>>)
        tpu.yield
      }) : () -> ()
    } else {
    }
    %eq3A_13 = arith.constant 0 : i32
    %eq3A_14 = arith.cmpi eq, %arg1, %eq3A_13 : i32
    %eq3A_15 = arith.constant 0 : i32
    %eq3A_16 = arith.cmpi eq, %arg0, %eq3A_15 : i32
    %and3A = arith.andi %eq3A_14, %eq3A_16 : i1
    %convert_element_type3A_17 = arith.extui %and3A : i1 to i32
    %cond3A_18 = arith.constant 0 : i32
    %cond3A_19 = arith.cmpi ne, %convert_element_type3A_17, %cond3A_18 : i32
    scf.if %cond3A_19 {
      "tpu.region"() ({
        %run_scoped3A = tpu.sem_alloc : memref<!tpu.dma_semaphore, #tpu.memory_space<semaphore_mem>>
        tpu.enqueue_dma source(%arg12 : memref<72x128xf32, #tpu.memory_space<vmem_shared>>) target(%arg7 : memref<72x128xf32, #tpu.memory_space<hbm>>) target_semaphore(%run_scoped3A : memref<!tpu.dma_semaphore, #tpu.memory_space<semaphore_mem>>)
        tpu.wait_dma2 semaphore(%run_scoped3A : memref<!tpu.dma_semaphore, #tpu.memory_space<semaphore_mem>>) src(%arg12 : memref<72x128xf32, #tpu.memory_space<vmem_shared>>) dst(%arg7 : memref<72x128xf32, #tpu.memory_space<hbm>>)
        tpu.yield
      }) : () -> ()
    } else {
    }
    return
  }
}

#map = affine_map<(d0, d1) -> (0, 0)>
#map1 = affine_map<(d0, d1) -> (0, 0, 0, 0)>
module attributes {stable_mosaic.version = 14 : i64} {
  func.func @segsum(%arg0: i32, %arg1: i32, %arg2: memref<20480x128xf32, #tpu.memory_space<hbm>>, %arg3: memref<2x16x250x80xi32, #tpu.memory_space<hbm>>, %arg4: memref<2x16x250x80xi32, #tpu.memory_space<hbm>>, %arg5: memref<5248x128xf32, #tpu.memory_space<hbm>>, %arg6: memref<20480x128xf32, #tpu.memory_space<hbm>>, %arg7: memref<250x80xi32, #tpu.memory_space<vmem>>, %arg8: memref<250x80xi32, #tpu.memory_space<vmem>>, %arg9: memref<80x128xf32, #tpu.memory_space<vmem>>, %arg10: memref<80x128xf32, #tpu.memory_space<vmem>>, %arg11: memref<5248x128xf32, #tpu.memory_space<vmem_shared>>, %arg12: memref<!tpu.dma_semaphore, #tpu.memory_space<semaphore_mem>>, %arg13: memref<!tpu.dma_semaphore, #tpu.memory_space<semaphore_mem>>) attributes {dimension_semantics = [#tpu.dimension_semantics<core_parallel>, #tpu.dimension_semantics<subcore_parallel>], iteration_bounds = array<i64: 2, 16>, scalar_prefetch = 0 : i64, scratch_operands = 7 : i64, tpu.core_type = #tpu.core_type<sc_vector_subcore>, window_params = [{transform_indices = #map}, {transform_indices = #map1}, {transform_indices = #map1}, {transform_indices = #map}, {transform_indices = #map}]} {
    "tpu.region"() ({
      %run_scoped3A_98 = tpu.sem_alloc : memref<!tpu.dma_semaphore, #tpu.memory_space<semaphore_mem>>
      %dma_start3A_99 = arith.constant 0 : i32
      %dma_start3A_100 = arith.constant 0 : i32
      %dma_start3A_101 = tpu.memref_slice %arg4[%arg0, %arg1, %dma_start3A_99, %dma_start3A_100] : memref<2x16x250x80xi32, #tpu.memory_space<hbm>> -> memref<1x1x250x80xi32, #tpu.memory_space<hbm>>
      %dma_start3A_102 = tpu.memref_squeeze %dma_start3A_101 : memref<1x1x250x80xi32, #tpu.memory_space<hbm>> -> memref<250x80xi32, #tpu.memory_space<hbm>>
      %dma_start3A_103 = arith.constant 0 : i32
      %dma_start3A_104 = arith.constant 0 : i32
      %dma_start3A_105 = tpu.memref_slice %arg4[%arg0, %arg1, %dma_start3A_103, %dma_start3A_104] : memref<2x16x250x80xi32, #tpu.memory_space<hbm>> -> memref<1x1x250x80xi32, #tpu.memory_space<hbm>>
      %dma_start3A_106 = tpu.memref_squeeze %dma_start3A_105 : memref<1x1x250x80xi32, #tpu.memory_space<hbm>> -> memref<250x80xi32, #tpu.memory_space<hbm>>
      tpu.enqueue_dma source(%dma_start3A_106 : memref<250x80xi32, #tpu.memory_space<hbm>>) target(%arg8 : memref<250x80xi32, #tpu.memory_space<vmem>>) target_semaphore(%run_scoped3A_98 : memref<!tpu.dma_semaphore, #tpu.memory_space<semaphore_mem>>)
      %dma_wait3A_107 = arith.constant 0 : i32
      %dma_wait3A_108 = arith.constant 0 : i32
      %dma_wait3A_109 = tpu.memref_slice %arg4[%arg0, %arg1, %dma_wait3A_107, %dma_wait3A_108] : memref<2x16x250x80xi32, #tpu.memory_space<hbm>> -> memref<1x1x250x80xi32, #tpu.memory_space<hbm>>
      %dma_wait3A_110 = tpu.memref_squeeze %dma_wait3A_109 : memref<1x1x250x80xi32, #tpu.memory_space<hbm>> -> memref<250x80xi32, #tpu.memory_space<hbm>>
      %dma_wait3A_111 = arith.constant 0 : i32
      %dma_wait3A_112 = arith.constant 0 : i32
      %dma_wait3A_113 = tpu.memref_slice %arg4[%arg0, %arg1, %dma_wait3A_111, %dma_wait3A_112] : memref<2x16x250x80xi32, #tpu.memory_space<hbm>> -> memref<1x1x250x80xi32, #tpu.memory_space<hbm>>
      %dma_wait3A_114 = tpu.memref_squeeze %dma_wait3A_113 : memref<1x1x250x80xi32, #tpu.memory_space<hbm>> -> memref<250x80xi32, #tpu.memory_space<hbm>>
      tpu.wait_dma2 semaphore(%run_scoped3A_98 : memref<!tpu.dma_semaphore, #tpu.memory_space<semaphore_mem>>) src(%dma_wait3A_114 : memref<250x80xi32, #tpu.memory_space<hbm>>) dst(%arg8 : memref<250x80xi32, #tpu.memory_space<vmem>>)
      tpu.yield
    }) : () -> ()
    %mul3A = arith.constant 328 : i32
    %mul3A_0 = arith.muli %arg1, %mul3A : i32
    %mul3A_1 = arith.constant 328 : i32
    %mul3A_2 = arith.muli %arg1, %mul3A_1 : i32
    "tpu.region"() ({
      %run_scoped3A_98 = tpu.sem_alloc : memref<!tpu.dma_semaphore, #tpu.memory_space<semaphore_mem>>
      %dma_start3A_99 = arith.constant 0 : i32
      %dma_start3A_100 = tpu.memref_slice %arg11[%mul3A_2, %dma_start3A_99] : memref<5248x128xf32, #tpu.memory_space<vmem_shared>> -> memref<328x128xf32, #tpu.memory_space<vmem_shared>>
      %dma_start3A_101 = arith.constant 0 : i32
      %dma_start3A_102 = tpu.memref_slice %arg5[%mul3A_0, %dma_start3A_101] : memref<5248x128xf32, #tpu.memory_space<hbm>> -> memref<328x128xf32, #tpu.memory_space<hbm>>
      tpu.enqueue_dma source(%dma_start3A_102 : memref<328x128xf32, #tpu.memory_space<hbm>>) target(%dma_start3A_100 : memref<328x128xf32, #tpu.memory_space<vmem_shared>>) target_semaphore(%run_scoped3A_98 : memref<!tpu.dma_semaphore, #tpu.memory_space<semaphore_mem>>)
      %dma_wait3A_103 = arith.constant 0 : i32
      %dma_wait3A_104 = tpu.memref_slice %arg11[%mul3A_2, %dma_wait3A_103] : memref<5248x128xf32, #tpu.memory_space<vmem_shared>> -> memref<328x128xf32, #tpu.memory_space<vmem_shared>>
      %dma_wait3A_105 = arith.constant 0 : i32
      %dma_wait3A_106 = tpu.memref_slice %arg5[%mul3A_0, %dma_wait3A_105] : memref<5248x128xf32, #tpu.memory_space<hbm>> -> memref<328x128xf32, #tpu.memory_space<hbm>>
      tpu.wait_dma2 semaphore(%run_scoped3A_98 : memref<!tpu.dma_semaphore, #tpu.memory_space<semaphore_mem>>) src(%dma_wait3A_106 : memref<328x128xf32, #tpu.memory_space<hbm>>) dst(%dma_wait3A_104 : memref<328x128xf32, #tpu.memory_space<vmem_shared>>)
      tpu.yield
    }) : () -> ()
    %run_scoped3A = arith.constant 0 : i32
    "tpu.region"() ({
      %run_scoped3A_98 = tpu.sem_alloc : memref<!tpu.dma_semaphore, #tpu.memory_space<semaphore_mem>>
      %dma_start3A_99 = arith.constant 0 : i32
      %dma_start3A_100 = arith.constant 0 : i32
      %dma_start3A_101 = tpu.memref_slice %arg3[%run_scoped3A, %arg1, %dma_start3A_99, %dma_start3A_100] : memref<2x16x250x80xi32, #tpu.memory_space<hbm>> -> memref<1x1x250x80xi32, #tpu.memory_space<hbm>>
      %dma_start3A_102 = tpu.memref_squeeze %dma_start3A_101 : memref<1x1x250x80xi32, #tpu.memory_space<hbm>> -> memref<250x80xi32, #tpu.memory_space<hbm>>
      %dma_start3A_103 = arith.constant 0 : i32
      %dma_start3A_104 = arith.constant 0 : i32
      %dma_start3A_105 = tpu.memref_slice %arg3[%run_scoped3A, %arg1, %dma_start3A_103, %dma_start3A_104] : memref<2x16x250x80xi32, #tpu.memory_space<hbm>> -> memref<1x1x250x80xi32, #tpu.memory_space<hbm>>
      %dma_start3A_106 = tpu.memref_squeeze %dma_start3A_105 : memref<1x1x250x80xi32, #tpu.memory_space<hbm>> -> memref<250x80xi32, #tpu.memory_space<hbm>>
      tpu.enqueue_dma source(%dma_start3A_106 : memref<250x80xi32, #tpu.memory_space<hbm>>) target(%arg7 : memref<250x80xi32, #tpu.memory_space<vmem>>) target_semaphore(%run_scoped3A_98 : memref<!tpu.dma_semaphore, #tpu.memory_space<semaphore_mem>>)
      %dma_wait3A_107 = arith.constant 0 : i32
      %dma_wait3A_108 = arith.constant 0 : i32
      %dma_wait3A_109 = tpu.memref_slice %arg3[%run_scoped3A, %arg1, %dma_wait3A_107, %dma_wait3A_108] : memref<2x16x250x80xi32, #tpu.memory_space<hbm>> -> memref<1x1x250x80xi32, #tpu.memory_space<hbm>>
      %dma_wait3A_110 = tpu.memref_squeeze %dma_wait3A_109 : memref<1x1x250x80xi32, #tpu.memory_space<hbm>> -> memref<250x80xi32, #tpu.memory_space<hbm>>
      %dma_wait3A_111 = arith.constant 0 : i32
      %dma_wait3A_112 = arith.constant 0 : i32
      %dma_wait3A_113 = tpu.memref_slice %arg3[%run_scoped3A, %arg1, %dma_wait3A_111, %dma_wait3A_112] : memref<2x16x250x80xi32, #tpu.memory_space<hbm>> -> memref<1x1x250x80xi32, #tpu.memory_space<hbm>>
      %dma_wait3A_114 = tpu.memref_squeeze %dma_wait3A_113 : memref<1x1x250x80xi32, #tpu.memory_space<hbm>> -> memref<250x80xi32, #tpu.memory_space<hbm>>
      tpu.wait_dma2 semaphore(%run_scoped3A_98 : memref<!tpu.dma_semaphore, #tpu.memory_space<semaphore_mem>>) src(%dma_wait3A_114 : memref<250x80xi32, #tpu.memory_space<hbm>>) dst(%arg7 : memref<250x80xi32, #tpu.memory_space<vmem>>)
      tpu.yield
    }) : () -> ()
    %barrier3A = arith.constant 0 : index
    tpu.barrier barrier_id(%barrier3A)
    %dma_start3A = arith.constant 0 : i32
    %dma_start3A_3 = arith.constant 0 : i32
    %dma_start3A_4 = tpu.memref_slice %arg7[%dma_start3A, %dma_start3A_3] : memref<250x80xi32, #tpu.memory_space<vmem>> -> memref<1x80xi32, #tpu.memory_space<vmem>>
    %dma_start3A_5 = tpu.memref_squeeze %dma_start3A_4 : memref<1x80xi32, #tpu.memory_space<vmem>> -> memref<80xi32, #tpu.memory_space<vmem>>
    %dma_start3A_6 = arith.constant 0 : i32
    %dma_start3A_7 = arith.constant 0 : i32
    %dma_start3A_8 = tpu.memref_slice %arg2[%dma_start3A_6, %dma_start3A_7] : memref<20480x128xf32, #tpu.memory_space<hbm>> -> memref<20480x128xf32, #tpu.memory_space<hbm>>
    tpu.enqueue_indirect_dma source(%dma_start3A_8 : memref<20480x128xf32, #tpu.memory_space<hbm>>) target(%arg9 : memref<80x128xf32, #tpu.memory_space<vmem>>) offsets(%dma_start3A_5 : memref<80xi32, #tpu.memory_space<vmem>>) semaphore(%arg12 : memref<!tpu.dma_semaphore, #tpu.memory_space<semaphore_mem>>)
    %dma_start3A_9 = arith.constant 1 : i32
    %dma_start3A_10 = arith.constant 0 : i32
    %dma_start3A_11 = tpu.memref_slice %arg7[%dma_start3A_9, %dma_start3A_10] : memref<250x80xi32, #tpu.memory_space<vmem>> -> memref<1x80xi32, #tpu.memory_space<vmem>>
    %dma_start3A_12 = tpu.memref_squeeze %dma_start3A_11 : memref<1x80xi32, #tpu.memory_space<vmem>> -> memref<80xi32, #tpu.memory_space<vmem>>
    %dma_start3A_13 = arith.constant 0 : i32
    %dma_start3A_14 = arith.constant 0 : i32
    %dma_start3A_15 = tpu.memref_slice %arg2[%dma_start3A_13, %dma_start3A_14] : memref<20480x128xf32, #tpu.memory_space<hbm>> -> memref<20480x128xf32, #tpu.memory_space<hbm>>
    tpu.enqueue_indirect_dma source(%dma_start3A_15 : memref<20480x128xf32, #tpu.memory_space<hbm>>) target(%arg10 : memref<80x128xf32, #tpu.memory_space<vmem>>) offsets(%dma_start3A_12 : memref<80xi32, #tpu.memory_space<vmem>>) semaphore(%arg13 : memref<!tpu.dma_semaphore, #tpu.memory_space<semaphore_mem>>)
    %scan3A = arith.constant 0 : i32
    %scan3A_16 = arith.constant 0 : i32
    %scan3A_17 = arith.constant 124 : i32
    %scan3A_18 = arith.addi %scan3A_16, %scan3A_17 : i32
    %scan3A_19 = arith.constant 1 : i32
    scf.for %scan3A_98 = %scan3A_16 to %scan3A_18 step %scan3A_19  : i32 {
      %mul3A_99 = arith.constant 2 : i32
      %mul3A_100 = arith.muli %mul3A_99, %scan3A_98 : i32
      %dma_wait3A_101 = arith.constant 0 : i32
      %dma_wait3A_102 = tpu.memref_slice %arg7[%mul3A_100, %dma_wait3A_101] : memref<250x80xi32, #tpu.memory_space<vmem>> -> memref<1x80xi32, #tpu.memory_space<vmem>>
      %dma_wait3A_103 = tpu.memref_squeeze %dma_wait3A_102 : memref<1x80xi32, #tpu.memory_space<vmem>> -> memref<80xi32, #tpu.memory_space<vmem>>
      %dma_wait3A_104 = arith.constant 0 : i32
      %dma_wait3A_105 = arith.constant 0 : i32
      %dma_wait3A_106 = tpu.memref_slice %arg2[%dma_wait3A_104, %dma_wait3A_105] : memref<20480x128xf32, #tpu.memory_space<hbm>> -> memref<20480x128xf32, #tpu.memory_space<hbm>>
      tpu.wait_indirect_dma semaphore(%arg12 : memref<!tpu.dma_semaphore, #tpu.memory_space<semaphore_mem>>) src(%dma_wait3A_106 : memref<20480x128xf32, #tpu.memory_space<hbm>>) dst(%arg9 : memref<80x128xf32, #tpu.memory_space<vmem>>)
      %mul3A_107 = arith.constant 2 : i32
      %mul3A_108 = arith.muli %mul3A_107, %scan3A_98 : i32
      "tpu.region"() ({
        %run_scoped3A_143 = tpu.sem_alloc : memref<!tpu.dma_semaphore, #tpu.memory_space<semaphore_mem>>
        %dma_start3A_144 = arith.constant 0 : i32
        %dma_start3A_145 = tpu.memref_slice %arg8[%mul3A_108, %dma_start3A_144] : memref<250x80xi32, #tpu.memory_space<vmem>> -> memref<1x80xi32, #tpu.memory_space<vmem>>
        %dma_start3A_146 = tpu.memref_squeeze %dma_start3A_145 : memref<1x80xi32, #tpu.memory_space<vmem>> -> memref<80xi32, #tpu.memory_space<vmem>>
        %dma_start3A_147 = arith.constant 0 : i32
        %dma_start3A_148 = arith.constant 0 : i32
        %dma_start3A_149 = tpu.memref_slice %arg11[%dma_start3A_147, %dma_start3A_148] : memref<5248x128xf32, #tpu.memory_space<vmem_shared>> -> memref<5248x128xf32, #tpu.memory_space<vmem_shared>>
        tpu.enqueue_indirect_dma source(%arg9 : memref<80x128xf32, #tpu.memory_space<vmem>>) target(%dma_start3A_149 : memref<5248x128xf32, #tpu.memory_space<vmem_shared>>) offsets(%dma_start3A_146 : memref<80xi32, #tpu.memory_space<vmem>>) semaphore(%run_scoped3A_143 : memref<!tpu.dma_semaphore, #tpu.memory_space<semaphore_mem>>) {add = true}
        %dma_wait3A_150 = arith.constant 0 : i32
        %dma_wait3A_151 = tpu.memref_slice %arg8[%mul3A_108, %dma_wait3A_150] : memref<250x80xi32, #tpu.memory_space<vmem>> -> memref<1x80xi32, #tpu.memory_space<vmem>>
        %dma_wait3A_152 = tpu.memref_squeeze %dma_wait3A_151 : memref<1x80xi32, #tpu.memory_space<vmem>> -> memref<80xi32, #tpu.memory_space<vmem>>
        %dma_wait3A_153 = arith.constant 0 : i32
        %dma_wait3A_154 = arith.constant 0 : i32
        %dma_wait3A_155 = tpu.memref_slice %arg11[%dma_wait3A_153, %dma_wait3A_154] : memref<5248x128xf32, #tpu.memory_space<vmem_shared>> -> memref<5248x128xf32, #tpu.memory_space<vmem_shared>>
        tpu.wait_indirect_dma semaphore(%run_scoped3A_143 : memref<!tpu.dma_semaphore, #tpu.memory_space<semaphore_mem>>) src(%arg9 : memref<80x128xf32, #tpu.memory_space<vmem>>) dst(%dma_wait3A_155 : memref<5248x128xf32, #tpu.memory_space<vmem_shared>>)
        tpu.yield
      }) : () -> ()
      %mul3A_109 = arith.constant 2 : i32
      %mul3A_110 = arith.muli %mul3A_109, %scan3A_98 : i32
      %add3A_111 = arith.constant 2 : i32
      %add3A_112 = arith.addi %mul3A_110, %add3A_111 : i32
      %dma_start3A_113 = arith.constant 0 : i32
      %dma_start3A_114 = tpu.memref_slice %arg7[%add3A_112, %dma_start3A_113] : memref<250x80xi32, #tpu.memory_space<vmem>> -> memref<1x80xi32, #tpu.memory_space<vmem>>
      %dma_start3A_115 = tpu.memref_squeeze %dma_start3A_114 : memref<1x80xi32, #tpu.memory_space<vmem>> -> memref<80xi32, #tpu.memory_space<vmem>>
      %dma_start3A_116 = arith.constant 0 : i32
      %dma_start3A_117 = arith.constant 0 : i32
      %dma_start3A_118 = tpu.memref_slice %arg2[%dma_start3A_116, %dma_start3A_117] : memref<20480x128xf32, #tpu.memory_space<hbm>> -> memref<20480x128xf32, #tpu.memory_space<hbm>>
      tpu.enqueue_indirect_dma source(%dma_start3A_118 : memref<20480x128xf32, #tpu.memory_space<hbm>>) target(%arg9 : memref<80x128xf32, #tpu.memory_space<vmem>>) offsets(%dma_start3A_115 : memref<80xi32, #tpu.memory_space<vmem>>) semaphore(%arg12 : memref<!tpu.dma_semaphore, #tpu.memory_space<semaphore_mem>>)
      %mul3A_119 = arith.constant 2 : i32
      %mul3A_120 = arith.muli %mul3A_119, %scan3A_98 : i32
      %add3A_121 = arith.constant 1 : i32
      %add3A_122 = arith.addi %mul3A_120, %add3A_121 : i32
      %dma_wait3A_123 = arith.constant 0 : i32
      %dma_wait3A_124 = tpu.memref_slice %arg7[%add3A_122, %dma_wait3A_123] : memref<250x80xi32, #tpu.memory_space<vmem>> -> memref<1x80xi32, #tpu.memory_space<vmem>>
      %dma_wait3A_125 = tpu.memref_squeeze %dma_wait3A_124 : memref<1x80xi32, #tpu.memory_space<vmem>> -> memref<80xi32, #tpu.memory_space<vmem>>
      %dma_wait3A_126 = arith.constant 0 : i32
      %dma_wait3A_127 = arith.constant 0 : i32
      %dma_wait3A_128 = tpu.memref_slice %arg2[%dma_wait3A_126, %dma_wait3A_127] : memref<20480x128xf32, #tpu.memory_space<hbm>> -> memref<20480x128xf32, #tpu.memory_space<hbm>>
      tpu.wait_indirect_dma semaphore(%arg13 : memref<!tpu.dma_semaphore, #tpu.memory_space<semaphore_mem>>) src(%dma_wait3A_128 : memref<20480x128xf32, #tpu.memory_space<hbm>>) dst(%arg10 : memref<80x128xf32, #tpu.memory_space<vmem>>)
      %mul3A_129 = arith.constant 2 : i32
      %mul3A_130 = arith.muli %mul3A_129, %scan3A_98 : i32
      %add3A_131 = arith.constant 1 : i32
      %add3A_132 = arith.addi %mul3A_130, %add3A_131 : i32
      "tpu.region"() ({
        %run_scoped3A_143 = tpu.sem_alloc : memref<!tpu.dma_semaphore, #tpu.memory_space<semaphore_mem>>
        %dma_start3A_144 = arith.constant 0 : i32
        %dma_start3A_145 = tpu.memref_slice %arg8[%add3A_132, %dma_start3A_144] : memref<250x80xi32, #tpu.memory_space<vmem>> -> memref<1x80xi32, #tpu.memory_space<vmem>>
        %dma_start3A_146 = tpu.memref_squeeze %dma_start3A_145 : memref<1x80xi32, #tpu.memory_space<vmem>> -> memref<80xi32, #tpu.memory_space<vmem>>
        %dma_start3A_147 = arith.constant 0 : i32
        %dma_start3A_148 = arith.constant 0 : i32
        %dma_start3A_149 = tpu.memref_slice %arg11[%dma_start3A_147, %dma_start3A_148] : memref<5248x128xf32, #tpu.memory_space<vmem_shared>> -> memref<5248x128xf32, #tpu.memory_space<vmem_shared>>
        tpu.enqueue_indirect_dma source(%arg10 : memref<80x128xf32, #tpu.memory_space<vmem>>) target(%dma_start3A_149 : memref<5248x128xf32, #tpu.memory_space<vmem_shared>>) offsets(%dma_start3A_146 : memref<80xi32, #tpu.memory_space<vmem>>) semaphore(%run_scoped3A_143 : memref<!tpu.dma_semaphore, #tpu.memory_space<semaphore_mem>>) {add = true}
        %dma_wait3A_150 = arith.constant 0 : i32
        %dma_wait3A_151 = tpu.memref_slice %arg8[%add3A_132, %dma_wait3A_150] : memref<250x80xi32, #tpu.memory_space<vmem>> -> memref<1x80xi32, #tpu.memory_space<vmem>>
        %dma_wait3A_152 = tpu.memref_squeeze %dma_wait3A_151 : memref<1x80xi32, #tpu.memory_space<vmem>> -> memref<80xi32, #tpu.memory_space<vmem>>
        %dma_wait3A_153 = arith.constant 0 : i32
        %dma_wait3A_154 = arith.constant 0 : i32
        %dma_wait3A_155 = tpu.memref_slice %arg11[%dma_wait3A_153, %dma_wait3A_154] : memref<5248x128xf32, #tpu.memory_space<vmem_shared>> -> memref<5248x128xf32, #tpu.memory_space<vmem_shared>>
        tpu.wait_indirect_dma semaphore(%run_scoped3A_143 : memref<!tpu.dma_semaphore, #tpu.memory_space<semaphore_mem>>) src(%arg10 : memref<80x128xf32, #tpu.memory_space<vmem>>) dst(%dma_wait3A_155 : memref<5248x128xf32, #tpu.memory_space<vmem_shared>>)
        tpu.yield
      }) : () -> ()
      %mul3A_133 = arith.constant 2 : i32
      %mul3A_134 = arith.muli %mul3A_133, %scan3A_98 : i32
      %add3A_135 = arith.constant 3 : i32
      %add3A_136 = arith.addi %mul3A_134, %add3A_135 : i32
      %dma_start3A_137 = arith.constant 0 : i32
      %dma_start3A_138 = tpu.memref_slice %arg7[%add3A_136, %dma_start3A_137] : memref<250x80xi32, #tpu.memory_space<vmem>> -> memref<1x80xi32, #tpu.memory_space<vmem>>
      %dma_start3A_139 = tpu.memref_squeeze %dma_start3A_138 : memref<1x80xi32, #tpu.memory_space<vmem>> -> memref<80xi32, #tpu.memory_space<vmem>>
      %dma_start3A_140 = arith.constant 0 : i32
      %dma_start3A_141 = arith.constant 0 : i32
      %dma_start3A_142 = tpu.memref_slice %arg2[%dma_start3A_140, %dma_start3A_141] : memref<20480x128xf32, #tpu.memory_space<hbm>> -> memref<20480x128xf32, #tpu.memory_space<hbm>>
      tpu.enqueue_indirect_dma source(%dma_start3A_142 : memref<20480x128xf32, #tpu.memory_space<hbm>>) target(%arg10 : memref<80x128xf32, #tpu.memory_space<vmem>>) offsets(%dma_start3A_139 : memref<80xi32, #tpu.memory_space<vmem>>) semaphore(%arg13 : memref<!tpu.dma_semaphore, #tpu.memory_space<semaphore_mem>>)
    }
    %scan3A_20 = arith.constant 124 : i32
    %dma_wait3A = arith.constant 248 : i32
    %dma_wait3A_21 = arith.constant 0 : i32
    %dma_wait3A_22 = tpu.memref_slice %arg7[%dma_wait3A, %dma_wait3A_21] : memref<250x80xi32, #tpu.memory_space<vmem>> -> memref<1x80xi32, #tpu.memory_space<vmem>>
    %dma_wait3A_23 = tpu.memref_squeeze %dma_wait3A_22 : memref<1x80xi32, #tpu.memory_space<vmem>> -> memref<80xi32, #tpu.memory_space<vmem>>
    %dma_wait3A_24 = arith.constant 0 : i32
    %dma_wait3A_25 = arith.constant 0 : i32
    %dma_wait3A_26 = tpu.memref_slice %arg2[%dma_wait3A_24, %dma_wait3A_25] : memref<20480x128xf32, #tpu.memory_space<hbm>> -> memref<20480x128xf32, #tpu.memory_space<hbm>>
    tpu.wait_indirect_dma semaphore(%arg12 : memref<!tpu.dma_semaphore, #tpu.memory_space<semaphore_mem>>) src(%dma_wait3A_26 : memref<20480x128xf32, #tpu.memory_space<hbm>>) dst(%arg9 : memref<80x128xf32, #tpu.memory_space<vmem>>)
    %run_scoped3A_27 = arith.constant 248 : i32
    "tpu.region"() ({
      %run_scoped3A_98 = tpu.sem_alloc : memref<!tpu.dma_semaphore, #tpu.memory_space<semaphore_mem>>
      %dma_start3A_99 = arith.constant 0 : i32
      %dma_start3A_100 = tpu.memref_slice %arg8[%run_scoped3A_27, %dma_start3A_99] : memref<250x80xi32, #tpu.memory_space<vmem>> -> memref<1x80xi32, #tpu.memory_space<vmem>>
      %dma_start3A_101 = tpu.memref_squeeze %dma_start3A_100 : memref<1x80xi32, #tpu.memory_space<vmem>> -> memref<80xi32, #tpu.memory_space<vmem>>
      %dma_start3A_102 = arith.constant 0 : i32
      %dma_start3A_103 = arith.constant 0 : i32
      %dma_start3A_104 = tpu.memref_slice %arg11[%dma_start3A_102, %dma_start3A_103] : memref<5248x128xf32, #tpu.memory_space<vmem_shared>> -> memref<5248x128xf32, #tpu.memory_space<vmem_shared>>
      tpu.enqueue_indirect_dma source(%arg9 : memref<80x128xf32, #tpu.memory_space<vmem>>) target(%dma_start3A_104 : memref<5248x128xf32, #tpu.memory_space<vmem_shared>>) offsets(%dma_start3A_101 : memref<80xi32, #tpu.memory_space<vmem>>) semaphore(%run_scoped3A_98 : memref<!tpu.dma_semaphore, #tpu.memory_space<semaphore_mem>>) {add = true}
      %dma_wait3A_105 = arith.constant 0 : i32
      %dma_wait3A_106 = tpu.memref_slice %arg8[%run_scoped3A_27, %dma_wait3A_105] : memref<250x80xi32, #tpu.memory_space<vmem>> -> memref<1x80xi32, #tpu.memory_space<vmem>>
      %dma_wait3A_107 = tpu.memref_squeeze %dma_wait3A_106 : memref<1x80xi32, #tpu.memory_space<vmem>> -> memref<80xi32, #tpu.memory_space<vmem>>
      %dma_wait3A_108 = arith.constant 0 : i32
      %dma_wait3A_109 = arith.constant 0 : i32
      %dma_wait3A_110 = tpu.memref_slice %arg11[%dma_wait3A_108, %dma_wait3A_109] : memref<5248x128xf32, #tpu.memory_space<vmem_shared>> -> memref<5248x128xf32, #tpu.memory_space<vmem_shared>>
      tpu.wait_indirect_dma semaphore(%run_scoped3A_98 : memref<!tpu.dma_semaphore, #tpu.memory_space<semaphore_mem>>) src(%arg9 : memref<80x128xf32, #tpu.memory_space<vmem>>) dst(%dma_wait3A_110 : memref<5248x128xf32, #tpu.memory_space<vmem_shared>>)
      tpu.yield
    }) : () -> ()
    %dma_wait3A_28 = arith.constant 249 : i32
    %dma_wait3A_29 = arith.constant 0 : i32
    %dma_wait3A_30 = tpu.memref_slice %arg7[%dma_wait3A_28, %dma_wait3A_29] : memref<250x80xi32, #tpu.memory_space<vmem>> -> memref<1x80xi32, #tpu.memory_space<vmem>>
    %dma_wait3A_31 = tpu.memref_squeeze %dma_wait3A_30 : memref<1x80xi32, #tpu.memory_space<vmem>> -> memref<80xi32, #tpu.memory_space<vmem>>
    %dma_wait3A_32 = arith.constant 0 : i32
    %dma_wait3A_33 = arith.constant 0 : i32
    %dma_wait3A_34 = tpu.memref_slice %arg2[%dma_wait3A_32, %dma_wait3A_33] : memref<20480x128xf32, #tpu.memory_space<hbm>> -> memref<20480x128xf32, #tpu.memory_space<hbm>>
    tpu.wait_indirect_dma semaphore(%arg13 : memref<!tpu.dma_semaphore, #tpu.memory_space<semaphore_mem>>) src(%dma_wait3A_34 : memref<20480x128xf32, #tpu.memory_space<hbm>>) dst(%arg10 : memref<80x128xf32, #tpu.memory_space<vmem>>)
    %run_scoped3A_35 = arith.constant 249 : i32
    "tpu.region"() ({
      %run_scoped3A_98 = tpu.sem_alloc : memref<!tpu.dma_semaphore, #tpu.memory_space<semaphore_mem>>
      %dma_start3A_99 = arith.constant 0 : i32
      %dma_start3A_100 = tpu.memref_slice %arg8[%run_scoped3A_35, %dma_start3A_99] : memref<250x80xi32, #tpu.memory_space<vmem>> -> memref<1x80xi32, #tpu.memory_space<vmem>>
      %dma_start3A_101 = tpu.memref_squeeze %dma_start3A_100 : memref<1x80xi32, #tpu.memory_space<vmem>> -> memref<80xi32, #tpu.memory_space<vmem>>
      %dma_start3A_102 = arith.constant 0 : i32
      %dma_start3A_103 = arith.constant 0 : i32
      %dma_start3A_104 = tpu.memref_slice %arg11[%dma_start3A_102, %dma_start3A_103] : memref<5248x128xf32, #tpu.memory_space<vmem_shared>> -> memref<5248x128xf32, #tpu.memory_space<vmem_shared>>
      tpu.enqueue_indirect_dma source(%arg10 : memref<80x128xf32, #tpu.memory_space<vmem>>) target(%dma_start3A_104 : memref<5248x128xf32, #tpu.memory_space<vmem_shared>>) offsets(%dma_start3A_101 : memref<80xi32, #tpu.memory_space<vmem>>) semaphore(%run_scoped3A_98 : memref<!tpu.dma_semaphore, #tpu.memory_space<semaphore_mem>>) {add = true}
      %dma_wait3A_105 = arith.constant 0 : i32
      %dma_wait3A_106 = tpu.memref_slice %arg8[%run_scoped3A_35, %dma_wait3A_105] : memref<250x80xi32, #tpu.memory_space<vmem>> -> memref<1x80xi32, #tpu.memory_space<vmem>>
      %dma_wait3A_107 = tpu.memref_squeeze %dma_wait3A_106 : memref<1x80xi32, #tpu.memory_space<vmem>> -> memref<80xi32, #tpu.memory_space<vmem>>
      %dma_wait3A_108 = arith.constant 0 : i32
      %dma_wait3A_109 = arith.constant 0 : i32
      %dma_wait3A_110 = tpu.memref_slice %arg11[%dma_wait3A_108, %dma_wait3A_109] : memref<5248x128xf32, #tpu.memory_space<vmem_shared>> -> memref<5248x128xf32, #tpu.memory_space<vmem_shared>>
      tpu.wait_indirect_dma semaphore(%run_scoped3A_98 : memref<!tpu.dma_semaphore, #tpu.memory_space<semaphore_mem>>) src(%arg10 : memref<80x128xf32, #tpu.memory_space<vmem>>) dst(%dma_wait3A_110 : memref<5248x128xf32, #tpu.memory_space<vmem_shared>>)
      tpu.yield
    }) : () -> ()
    %barrier3A_36 = arith.constant 0 : index
    tpu.barrier barrier_id(%barrier3A_36)
    %mul3A_37 = arith.constant 320 : i32
    %mul3A_38 = arith.muli %arg1, %mul3A_37 : i32
    %mul3A_39 = arith.constant 5120 : i32
    %mul3A_40 = arith.muli %arg0, %mul3A_39 : i32
    %add3A = arith.constant 0 : i32
    %add3A_41 = arith.addi %add3A, %mul3A_40 : i32
    %mul3A_42 = arith.constant 320 : i32
    %mul3A_43 = arith.muli %arg1, %mul3A_42 : i32
    %add3A_44 = arith.addi %add3A_41, %mul3A_43 : i32
    "tpu.region"() ({
      %run_scoped3A_98 = tpu.sem_alloc : memref<!tpu.dma_semaphore, #tpu.memory_space<semaphore_mem>>
      %dma_start3A_99 = arith.constant 0 : i32
      %dma_start3A_100 = tpu.memref_slice %arg6[%add3A_44, %dma_start3A_99] : memref<20480x128xf32, #tpu.memory_space<hbm>> -> memref<320x128xf32, #tpu.memory_space<hbm>>
      %dma_start3A_101 = arith.constant 0 : i32
      %dma_start3A_102 = tpu.memref_slice %arg11[%mul3A_38, %dma_start3A_101] : memref<5248x128xf32, #tpu.memory_space<vmem_shared>> -> memref<320x128xf32, #tpu.memory_space<vmem_shared>>
      tpu.enqueue_dma source(%dma_start3A_102 : memref<320x128xf32, #tpu.memory_space<vmem_shared>>) target(%dma_start3A_100 : memref<320x128xf32, #tpu.memory_space<hbm>>) target_semaphore(%run_scoped3A_98 : memref<!tpu.dma_semaphore, #tpu.memory_space<semaphore_mem>>)
      %dma_wait3A_103 = arith.constant 0 : i32
      %dma_wait3A_104 = tpu.memref_slice %arg6[%add3A_44, %dma_wait3A_103] : memref<20480x128xf32, #tpu.memory_space<hbm>> -> memref<320x128xf32, #tpu.memory_space<hbm>>
      %dma_wait3A_105 = arith.constant 0 : i32
      %dma_wait3A_106 = tpu.memref_slice %arg11[%mul3A_38, %dma_wait3A_105] : memref<5248x128xf32, #tpu.memory_space<vmem_shared>> -> memref<320x128xf32, #tpu.memory_space<vmem_shared>>
      tpu.wait_dma2 semaphore(%run_scoped3A_98 : memref<!tpu.dma_semaphore, #tpu.memory_space<semaphore_mem>>) src(%dma_wait3A_106 : memref<320x128xf32, #tpu.memory_space<vmem_shared>>) dst(%dma_wait3A_104 : memref<320x128xf32, #tpu.memory_space<hbm>>)
      tpu.yield
    }) : () -> ()
    %barrier3A_45 = arith.constant 0 : index
    tpu.barrier barrier_id(%barrier3A_45)
    %mul3A_46 = arith.constant 328 : i32
    %mul3A_47 = arith.muli %arg1, %mul3A_46 : i32
    %mul3A_48 = arith.constant 328 : i32
    %mul3A_49 = arith.muli %arg1, %mul3A_48 : i32
    "tpu.region"() ({
      %run_scoped3A_98 = tpu.sem_alloc : memref<!tpu.dma_semaphore, #tpu.memory_space<semaphore_mem>>
      %dma_start3A_99 = arith.constant 0 : i32
      %dma_start3A_100 = tpu.memref_slice %arg11[%mul3A_49, %dma_start3A_99] : memref<5248x128xf32, #tpu.memory_space<vmem_shared>> -> memref<328x128xf32, #tpu.memory_space<vmem_shared>>
      %dma_start3A_101 = arith.constant 0 : i32
      %dma_start3A_102 = tpu.memref_slice %arg5[%mul3A_47, %dma_start3A_101] : memref<5248x128xf32, #tpu.memory_space<hbm>> -> memref<328x128xf32, #tpu.memory_space<hbm>>
      tpu.enqueue_dma source(%dma_start3A_102 : memref<328x128xf32, #tpu.memory_space<hbm>>) target(%dma_start3A_100 : memref<328x128xf32, #tpu.memory_space<vmem_shared>>) target_semaphore(%run_scoped3A_98 : memref<!tpu.dma_semaphore, #tpu.memory_space<semaphore_mem>>)
      %dma_wait3A_103 = arith.constant 0 : i32
      %dma_wait3A_104 = tpu.memref_slice %arg11[%mul3A_49, %dma_wait3A_103] : memref<5248x128xf32, #tpu.memory_space<vmem_shared>> -> memref<328x128xf32, #tpu.memory_space<vmem_shared>>
      %dma_wait3A_105 = arith.constant 0 : i32
      %dma_wait3A_106 = tpu.memref_slice %arg5[%mul3A_47, %dma_wait3A_105] : memref<5248x128xf32, #tpu.memory_space<hbm>> -> memref<328x128xf32, #tpu.memory_space<hbm>>
      tpu.wait_dma2 semaphore(%run_scoped3A_98 : memref<!tpu.dma_semaphore, #tpu.memory_space<semaphore_mem>>) src(%dma_wait3A_106 : memref<328x128xf32, #tpu.memory_space<hbm>>) dst(%dma_wait3A_104 : memref<328x128xf32, #tpu.memory_space<vmem_shared>>)
      tpu.yield
    }) : () -> ()
    %run_scoped3A_50 = arith.constant 1 : i32
    "tpu.region"() ({
      %run_scoped3A_98 = tpu.sem_alloc : memref<!tpu.dma_semaphore, #tpu.memory_space<semaphore_mem>>
      %dma_start3A_99 = arith.constant 0 : i32
      %dma_start3A_100 = arith.constant 0 : i32
      %dma_start3A_101 = tpu.memref_slice %arg3[%run_scoped3A_50, %arg1, %dma_start3A_99, %dma_start3A_100] : memref<2x16x250x80xi32, #tpu.memory_space<hbm>> -> memref<1x1x250x80xi32, #tpu.memory_space<hbm>>
      %dma_start3A_102 = tpu.memref_squeeze %dma_start3A_101 : memref<1x1x250x80xi32, #tpu.memory_space<hbm>> -> memref<250x80xi32, #tpu.memory_space<hbm>>
      %dma_start3A_103 = arith.constant 0 : i32
      %dma_start3A_104 = arith.constant 0 : i32
      %dma_start3A_105 = tpu.memref_slice %arg3[%run_scoped3A_50, %arg1, %dma_start3A_103, %dma_start3A_104] : memref<2x16x250x80xi32, #tpu.memory_space<hbm>> -> memref<1x1x250x80xi32, #tpu.memory_space<hbm>>
      %dma_start3A_106 = tpu.memref_squeeze %dma_start3A_105 : memref<1x1x250x80xi32, #tpu.memory_space<hbm>> -> memref<250x80xi32, #tpu.memory_space<hbm>>
      tpu.enqueue_dma source(%dma_start3A_106 : memref<250x80xi32, #tpu.memory_space<hbm>>) target(%arg7 : memref<250x80xi32, #tpu.memory_space<vmem>>) target_semaphore(%run_scoped3A_98 : memref<!tpu.dma_semaphore, #tpu.memory_space<semaphore_mem>>)
      %dma_wait3A_107 = arith.constant 0 : i32
      %dma_wait3A_108 = arith.constant 0 : i32
      %dma_wait3A_109 = tpu.memref_slice %arg3[%run_scoped3A_50, %arg1, %dma_wait3A_107, %dma_wait3A_108] : memref<2x16x250x80xi32, #tpu.memory_space<hbm>> -> memref<1x1x250x80xi32, #tpu.memory_space<hbm>>
      %dma_wait3A_110 = tpu.memref_squeeze %dma_wait3A_109 : memref<1x1x250x80xi32, #tpu.memory_space<hbm>> -> memref<250x80xi32, #tpu.memory_space<hbm>>
      %dma_wait3A_111 = arith.constant 0 : i32
      %dma_wait3A_112 = arith.constant 0 : i32
      %dma_wait3A_113 = tpu.memref_slice %arg3[%run_scoped3A_50, %arg1, %dma_wait3A_111, %dma_wait3A_112] : memref<2x16x250x80xi32, #tpu.memory_space<hbm>> -> memref<1x1x250x80xi32, #tpu.memory_space<hbm>>
      %dma_wait3A_114 = tpu.memref_squeeze %dma_wait3A_113 : memref<1x1x250x80xi32, #tpu.memory_space<hbm>> -> memref<250x80xi32, #tpu.memory_space<hbm>>
      tpu.wait_dma2 semaphore(%run_scoped3A_98 : memref<!tpu.dma_semaphore, #tpu.memory_space<semaphore_mem>>) src(%dma_wait3A_114 : memref<250x80xi32, #tpu.memory_space<hbm>>) dst(%arg7 : memref<250x80xi32, #tpu.memory_space<vmem>>)
      tpu.yield
    }) : () -> ()
    %barrier3A_51 = arith.constant 0 : index
    tpu.barrier barrier_id(%barrier3A_51)
    %dma_start3A_52 = arith.constant 0 : i32
    %dma_start3A_53 = arith.constant 0 : i32
    %dma_start3A_54 = tpu.memref_slice %arg7[%dma_start3A_52, %dma_start3A_53] : memref<250x80xi32, #tpu.memory_space<vmem>> -> memref<1x80xi32, #tpu.memory_space<vmem>>
    %dma_start3A_55 = tpu.memref_squeeze %dma_start3A_54 : memref<1x80xi32, #tpu.memory_space<vmem>> -> memref<80xi32, #tpu.memory_space<vmem>>
    %dma_start3A_56 = arith.constant 0 : i32
    %dma_start3A_57 = arith.constant 0 : i32
    %dma_start3A_58 = tpu.memref_slice %arg2[%dma_start3A_56, %dma_start3A_57] : memref<20480x128xf32, #tpu.memory_space<hbm>> -> memref<20480x128xf32, #tpu.memory_space<hbm>>
    tpu.enqueue_indirect_dma source(%dma_start3A_58 : memref<20480x128xf32, #tpu.memory_space<hbm>>) target(%arg9 : memref<80x128xf32, #tpu.memory_space<vmem>>) offsets(%dma_start3A_55 : memref<80xi32, #tpu.memory_space<vmem>>) semaphore(%arg12 : memref<!tpu.dma_semaphore, #tpu.memory_space<semaphore_mem>>)
    %dma_start3A_59 = arith.constant 1 : i32
    %dma_start3A_60 = arith.constant 0 : i32
    %dma_start3A_61 = tpu.memref_slice %arg7[%dma_start3A_59, %dma_start3A_60] : memref<250x80xi32, #tpu.memory_space<vmem>> -> memref<1x80xi32, #tpu.memory_space<vmem>>
    %dma_start3A_62 = tpu.memref_squeeze %dma_start3A_61 : memref<1x80xi32, #tpu.memory_space<vmem>> -> memref<80xi32, #tpu.memory_space<vmem>>
    %dma_start3A_63 = arith.constant 0 : i32
    %dma_start3A_64 = arith.constant 0 : i32
    %dma_start3A_65 = tpu.memref_slice %arg2[%dma_start3A_63, %dma_start3A_64] : memref<20480x128xf32, #tpu.memory_space<hbm>> -> memref<20480x128xf32, #tpu.memory_space<hbm>>
    tpu.enqueue_indirect_dma source(%dma_start3A_65 : memref<20480x128xf32, #tpu.memory_space<hbm>>) target(%arg10 : memref<80x128xf32, #tpu.memory_space<vmem>>) offsets(%dma_start3A_62 : memref<80xi32, #tpu.memory_space<vmem>>) semaphore(%arg13 : memref<!tpu.dma_semaphore, #tpu.memory_space<semaphore_mem>>)
    %scan3A_66 = arith.constant 0 : i32
    %scan3A_67 = arith.constant 0 : i32
    %scan3A_68 = arith.constant 124 : i32
    %scan3A_69 = arith.addi %scan3A_67, %scan3A_68 : i32
    %scan3A_70 = arith.constant 1 : i32
    scf.for %scan3A_98 = %scan3A_67 to %scan3A_69 step %scan3A_70  : i32 {
      %mul3A_99 = arith.constant 2 : i32
      %mul3A_100 = arith.muli %mul3A_99, %scan3A_98 : i32
      %dma_wait3A_101 = arith.constant 0 : i32
      %dma_wait3A_102 = tpu.memref_slice %arg7[%mul3A_100, %dma_wait3A_101] : memref<250x80xi32, #tpu.memory_space<vmem>> -> memref<1x80xi32, #tpu.memory_space<vmem>>
      %dma_wait3A_103 = tpu.memref_squeeze %dma_wait3A_102 : memref<1x80xi32, #tpu.memory_space<vmem>> -> memref<80xi32, #tpu.memory_space<vmem>>
      %dma_wait3A_104 = arith.constant 0 : i32
      %dma_wait3A_105 = arith.constant 0 : i32
      %dma_wait3A_106 = tpu.memref_slice %arg2[%dma_wait3A_104, %dma_wait3A_105] : memref<20480x128xf32, #tpu.memory_space<hbm>> -> memref<20480x128xf32, #tpu.memory_space<hbm>>
      tpu.wait_indirect_dma semaphore(%arg12 : memref<!tpu.dma_semaphore, #tpu.memory_space<semaphore_mem>>) src(%dma_wait3A_106 : memref<20480x128xf32, #tpu.memory_space<hbm>>) dst(%arg9 : memref<80x128xf32, #tpu.memory_space<vmem>>)
      %mul3A_107 = arith.constant 2 : i32
      %mul3A_108 = arith.muli %mul3A_107, %scan3A_98 : i32
      "tpu.region"() ({
        %run_scoped3A_143 = tpu.sem_alloc : memref<!tpu.dma_semaphore, #tpu.memory_space<semaphore_mem>>
        %dma_start3A_144 = arith.constant 0 : i32
        %dma_start3A_145 = tpu.memref_slice %arg8[%mul3A_108, %dma_start3A_144] : memref<250x80xi32, #tpu.memory_space<vmem>> -> memref<1x80xi32, #tpu.memory_space<vmem>>
        %dma_start3A_146 = tpu.memref_squeeze %dma_start3A_145 : memref<1x80xi32, #tpu.memory_space<vmem>> -> memref<80xi32, #tpu.memory_space<vmem>>
        %dma_start3A_147 = arith.constant 0 : i32
        %dma_start3A_148 = arith.constant 0 : i32
        %dma_start3A_149 = tpu.memref_slice %arg11[%dma_start3A_147, %dma_start3A_148] : memref<5248x128xf32, #tpu.memory_space<vmem_shared>> -> memref<5248x128xf32, #tpu.memory_space<vmem_shared>>
        tpu.enqueue_indirect_dma source(%arg9 : memref<80x128xf32, #tpu.memory_space<vmem>>) target(%dma_start3A_149 : memref<5248x128xf32, #tpu.memory_space<vmem_shared>>) offsets(%dma_start3A_146 : memref<80xi32, #tpu.memory_space<vmem>>) semaphore(%run_scoped3A_143 : memref<!tpu.dma_semaphore, #tpu.memory_space<semaphore_mem>>) {add = true}
        %dma_wait3A_150 = arith.constant 0 : i32
        %dma_wait3A_151 = tpu.memref_slice %arg8[%mul3A_108, %dma_wait3A_150] : memref<250x80xi32, #tpu.memory_space<vmem>> -> memref<1x80xi32, #tpu.memory_space<vmem>>
        %dma_wait3A_152 = tpu.memref_squeeze %dma_wait3A_151 : memref<1x80xi32, #tpu.memory_space<vmem>> -> memref<80xi32, #tpu.memory_space<vmem>>
        %dma_wait3A_153 = arith.constant 0 : i32
        %dma_wait3A_154 = arith.constant 0 : i32
        %dma_wait3A_155 = tpu.memref_slice %arg11[%dma_wait3A_153, %dma_wait3A_154] : memref<5248x128xf32, #tpu.memory_space<vmem_shared>> -> memref<5248x128xf32, #tpu.memory_space<vmem_shared>>
        tpu.wait_indirect_dma semaphore(%run_scoped3A_143 : memref<!tpu.dma_semaphore, #tpu.memory_space<semaphore_mem>>) src(%arg9 : memref<80x128xf32, #tpu.memory_space<vmem>>) dst(%dma_wait3A_155 : memref<5248x128xf32, #tpu.memory_space<vmem_shared>>)
        tpu.yield
      }) : () -> ()
      %mul3A_109 = arith.constant 2 : i32
      %mul3A_110 = arith.muli %mul3A_109, %scan3A_98 : i32
      %add3A_111 = arith.constant 2 : i32
      %add3A_112 = arith.addi %mul3A_110, %add3A_111 : i32
      %dma_start3A_113 = arith.constant 0 : i32
      %dma_start3A_114 = tpu.memref_slice %arg7[%add3A_112, %dma_start3A_113] : memref<250x80xi32, #tpu.memory_space<vmem>> -> memref<1x80xi32, #tpu.memory_space<vmem>>
      %dma_start3A_115 = tpu.memref_squeeze %dma_start3A_114 : memref<1x80xi32, #tpu.memory_space<vmem>> -> memref<80xi32, #tpu.memory_space<vmem>>
      %dma_start3A_116 = arith.constant 0 : i32
      %dma_start3A_117 = arith.constant 0 : i32
      %dma_start3A_118 = tpu.memref_slice %arg2[%dma_start3A_116, %dma_start3A_117] : memref<20480x128xf32, #tpu.memory_space<hbm>> -> memref<20480x128xf32, #tpu.memory_space<hbm>>
      tpu.enqueue_indirect_dma source(%dma_start3A_118 : memref<20480x128xf32, #tpu.memory_space<hbm>>) target(%arg9 : memref<80x128xf32, #tpu.memory_space<vmem>>) offsets(%dma_start3A_115 : memref<80xi32, #tpu.memory_space<vmem>>) semaphore(%arg12 : memref<!tpu.dma_semaphore, #tpu.memory_space<semaphore_mem>>)
      %mul3A_119 = arith.constant 2 : i32
      %mul3A_120 = arith.muli %mul3A_119, %scan3A_98 : i32
      %add3A_121 = arith.constant 1 : i32
      %add3A_122 = arith.addi %mul3A_120, %add3A_121 : i32
      %dma_wait3A_123 = arith.constant 0 : i32
      %dma_wait3A_124 = tpu.memref_slice %arg7[%add3A_122, %dma_wait3A_123] : memref<250x80xi32, #tpu.memory_space<vmem>> -> memref<1x80xi32, #tpu.memory_space<vmem>>
      %dma_wait3A_125 = tpu.memref_squeeze %dma_wait3A_124 : memref<1x80xi32, #tpu.memory_space<vmem>> -> memref<80xi32, #tpu.memory_space<vmem>>
      %dma_wait3A_126 = arith.constant 0 : i32
      %dma_wait3A_127 = arith.constant 0 : i32
      %dma_wait3A_128 = tpu.memref_slice %arg2[%dma_wait3A_126, %dma_wait3A_127] : memref<20480x128xf32, #tpu.memory_space<hbm>> -> memref<20480x128xf32, #tpu.memory_space<hbm>>
      tpu.wait_indirect_dma semaphore(%arg13 : memref<!tpu.dma_semaphore, #tpu.memory_space<semaphore_mem>>) src(%dma_wait3A_128 : memref<20480x128xf32, #tpu.memory_space<hbm>>) dst(%arg10 : memref<80x128xf32, #tpu.memory_space<vmem>>)
      %mul3A_129 = arith.constant 2 : i32
      %mul3A_130 = arith.muli %mul3A_129, %scan3A_98 : i32
      %add3A_131 = arith.constant 1 : i32
      %add3A_132 = arith.addi %mul3A_130, %add3A_131 : i32
      "tpu.region"() ({
        %run_scoped3A_143 = tpu.sem_alloc : memref<!tpu.dma_semaphore, #tpu.memory_space<semaphore_mem>>
        %dma_start3A_144 = arith.constant 0 : i32
        %dma_start3A_145 = tpu.memref_slice %arg8[%add3A_132, %dma_start3A_144] : memref<250x80xi32, #tpu.memory_space<vmem>> -> memref<1x80xi32, #tpu.memory_space<vmem>>
        %dma_start3A_146 = tpu.memref_squeeze %dma_start3A_145 : memref<1x80xi32, #tpu.memory_space<vmem>> -> memref<80xi32, #tpu.memory_space<vmem>>
        %dma_start3A_147 = arith.constant 0 : i32
        %dma_start3A_148 = arith.constant 0 : i32
        %dma_start3A_149 = tpu.memref_slice %arg11[%dma_start3A_147, %dma_start3A_148] : memref<5248x128xf32, #tpu.memory_space<vmem_shared>> -> memref<5248x128xf32, #tpu.memory_space<vmem_shared>>
        tpu.enqueue_indirect_dma source(%arg10 : memref<80x128xf32, #tpu.memory_space<vmem>>) target(%dma_start3A_149 : memref<5248x128xf32, #tpu.memory_space<vmem_shared>>) offsets(%dma_start3A_146 : memref<80xi32, #tpu.memory_space<vmem>>) semaphore(%run_scoped3A_143 : memref<!tpu.dma_semaphore, #tpu.memory_space<semaphore_mem>>) {add = true}
        %dma_wait3A_150 = arith.constant 0 : i32
        %dma_wait3A_151 = tpu.memref_slice %arg8[%add3A_132, %dma_wait3A_150] : memref<250x80xi32, #tpu.memory_space<vmem>> -> memref<1x80xi32, #tpu.memory_space<vmem>>
        %dma_wait3A_152 = tpu.memref_squeeze %dma_wait3A_151 : memref<1x80xi32, #tpu.memory_space<vmem>> -> memref<80xi32, #tpu.memory_space<vmem>>
        %dma_wait3A_153 = arith.constant 0 : i32
        %dma_wait3A_154 = arith.constant 0 : i32
        %dma_wait3A_155 = tpu.memref_slice %arg11[%dma_wait3A_153, %dma_wait3A_154] : memref<5248x128xf32, #tpu.memory_space<vmem_shared>> -> memref<5248x128xf32, #tpu.memory_space<vmem_shared>>
        tpu.wait_indirect_dma semaphore(%run_scoped3A_143 : memref<!tpu.dma_semaphore, #tpu.memory_space<semaphore_mem>>) src(%arg10 : memref<80x128xf32, #tpu.memory_space<vmem>>) dst(%dma_wait3A_155 : memref<5248x128xf32, #tpu.memory_space<vmem_shared>>)
        tpu.yield
      }) : () -> ()
      %mul3A_133 = arith.constant 2 : i32
      %mul3A_134 = arith.muli %mul3A_133, %scan3A_98 : i32
      %add3A_135 = arith.constant 3 : i32
      %add3A_136 = arith.addi %mul3A_134, %add3A_135 : i32
      %dma_start3A_137 = arith.constant 0 : i32
      %dma_start3A_138 = tpu.memref_slice %arg7[%add3A_136, %dma_start3A_137] : memref<250x80xi32, #tpu.memory_space<vmem>> -> memref<1x80xi32, #tpu.memory_space<vmem>>
      %dma_start3A_139 = tpu.memref_squeeze %dma_start3A_138 : memref<1x80xi32, #tpu.memory_space<vmem>> -> memref<80xi32, #tpu.memory_space<vmem>>
      %dma_start3A_140 = arith.constant 0 : i32
      %dma_start3A_141 = arith.constant 0 : i32
      %dma_start3A_142 = tpu.memref_slice %arg2[%dma_start3A_140, %dma_start3A_141] : memref<20480x128xf32, #tpu.memory_space<hbm>> -> memref<20480x128xf32, #tpu.memory_space<hbm>>
      tpu.enqueue_indirect_dma source(%dma_start3A_142 : memref<20480x128xf32, #tpu.memory_space<hbm>>) target(%arg10 : memref<80x128xf32, #tpu.memory_space<vmem>>) offsets(%dma_start3A_139 : memref<80xi32, #tpu.memory_space<vmem>>) semaphore(%arg13 : memref<!tpu.dma_semaphore, #tpu.memory_space<semaphore_mem>>)
    }
    %scan3A_71 = arith.constant 124 : i32
    %dma_wait3A_72 = arith.constant 248 : i32
    %dma_wait3A_73 = arith.constant 0 : i32
    %dma_wait3A_74 = tpu.memref_slice %arg7[%dma_wait3A_72, %dma_wait3A_73] : memref<250x80xi32, #tpu.memory_space<vmem>> -> memref<1x80xi32, #tpu.memory_space<vmem>>
    %dma_wait3A_75 = tpu.memref_squeeze %dma_wait3A_74 : memref<1x80xi32, #tpu.memory_space<vmem>> -> memref<80xi32, #tpu.memory_space<vmem>>
    %dma_wait3A_76 = arith.constant 0 : i32
    %dma_wait3A_77 = arith.constant 0 : i32
    %dma_wait3A_78 = tpu.memref_slice %arg2[%dma_wait3A_76, %dma_wait3A_77] : memref<20480x128xf32, #tpu.memory_space<hbm>> -> memref<20480x128xf32, #tpu.memory_space<hbm>>
    tpu.wait_indirect_dma semaphore(%arg12 : memref<!tpu.dma_semaphore, #tpu.memory_space<semaphore_mem>>) src(%dma_wait3A_78 : memref<20480x128xf32, #tpu.memory_space<hbm>>) dst(%arg9 : memref<80x128xf32, #tpu.memory_space<vmem>>)
    %run_scoped3A_79 = arith.constant 248 : i32
    "tpu.region"() ({
      %run_scoped3A_98 = tpu.sem_alloc : memref<!tpu.dma_semaphore, #tpu.memory_space<semaphore_mem>>
      %dma_start3A_99 = arith.constant 0 : i32
      %dma_start3A_100 = tpu.memref_slice %arg8[%run_scoped3A_79, %dma_start3A_99] : memref<250x80xi32, #tpu.memory_space<vmem>> -> memref<1x80xi32, #tpu.memory_space<vmem>>
      %dma_start3A_101 = tpu.memref_squeeze %dma_start3A_100 : memref<1x80xi32, #tpu.memory_space<vmem>> -> memref<80xi32, #tpu.memory_space<vmem>>
      %dma_start3A_102 = arith.constant 0 : i32
      %dma_start3A_103 = arith.constant 0 : i32
      %dma_start3A_104 = tpu.memref_slice %arg11[%dma_start3A_102, %dma_start3A_103] : memref<5248x128xf32, #tpu.memory_space<vmem_shared>> -> memref<5248x128xf32, #tpu.memory_space<vmem_shared>>
      tpu.enqueue_indirect_dma source(%arg9 : memref<80x128xf32, #tpu.memory_space<vmem>>) target(%dma_start3A_104 : memref<5248x128xf32, #tpu.memory_space<vmem_shared>>) offsets(%dma_start3A_101 : memref<80xi32, #tpu.memory_space<vmem>>) semaphore(%run_scoped3A_98 : memref<!tpu.dma_semaphore, #tpu.memory_space<semaphore_mem>>) {add = true}
      %dma_wait3A_105 = arith.constant 0 : i32
      %dma_wait3A_106 = tpu.memref_slice %arg8[%run_scoped3A_79, %dma_wait3A_105] : memref<250x80xi32, #tpu.memory_space<vmem>> -> memref<1x80xi32, #tpu.memory_space<vmem>>
      %dma_wait3A_107 = tpu.memref_squeeze %dma_wait3A_106 : memref<1x80xi32, #tpu.memory_space<vmem>> -> memref<80xi32, #tpu.memory_space<vmem>>
      %dma_wait3A_108 = arith.constant 0 : i32
      %dma_wait3A_109 = arith.constant 0 : i32
      %dma_wait3A_110 = tpu.memref_slice %arg11[%dma_wait3A_108, %dma_wait3A_109] : memref<5248x128xf32, #tpu.memory_space<vmem_shared>> -> memref<5248x128xf32, #tpu.memory_space<vmem_shared>>
      tpu.wait_indirect_dma semaphore(%run_scoped3A_98 : memref<!tpu.dma_semaphore, #tpu.memory_space<semaphore_mem>>) src(%arg9 : memref<80x128xf32, #tpu.memory_space<vmem>>) dst(%dma_wait3A_110 : memref<5248x128xf32, #tpu.memory_space<vmem_shared>>)
      tpu.yield
    }) : () -> ()
    %dma_wait3A_80 = arith.constant 249 : i32
    %dma_wait3A_81 = arith.constant 0 : i32
    %dma_wait3A_82 = tpu.memref_slice %arg7[%dma_wait3A_80, %dma_wait3A_81] : memref<250x80xi32, #tpu.memory_space<vmem>> -> memref<1x80xi32, #tpu.memory_space<vmem>>
    %dma_wait3A_83 = tpu.memref_squeeze %dma_wait3A_82 : memref<1x80xi32, #tpu.memory_space<vmem>> -> memref<80xi32, #tpu.memory_space<vmem>>
    %dma_wait3A_84 = arith.constant 0 : i32
    %dma_wait3A_85 = arith.constant 0 : i32
    %dma_wait3A_86 = tpu.memref_slice %arg2[%dma_wait3A_84, %dma_wait3A_85] : memref<20480x128xf32, #tpu.memory_space<hbm>> -> memref<20480x128xf32, #tpu.memory_space<hbm>>
    tpu.wait_indirect_dma semaphore(%arg13 : memref<!tpu.dma_semaphore, #tpu.memory_space<semaphore_mem>>) src(%dma_wait3A_86 : memref<20480x128xf32, #tpu.memory_space<hbm>>) dst(%arg10 : memref<80x128xf32, #tpu.memory_space<vmem>>)
    %run_scoped3A_87 = arith.constant 249 : i32
    "tpu.region"() ({
      %run_scoped3A_98 = tpu.sem_alloc : memref<!tpu.dma_semaphore, #tpu.memory_space<semaphore_mem>>
      %dma_start3A_99 = arith.constant 0 : i32
      %dma_start3A_100 = tpu.memref_slice %arg8[%run_scoped3A_87, %dma_start3A_99] : memref<250x80xi32, #tpu.memory_space<vmem>> -> memref<1x80xi32, #tpu.memory_space<vmem>>
      %dma_start3A_101 = tpu.memref_squeeze %dma_start3A_100 : memref<1x80xi32, #tpu.memory_space<vmem>> -> memref<80xi32, #tpu.memory_space<vmem>>
      %dma_start3A_102 = arith.constant 0 : i32
      %dma_start3A_103 = arith.constant 0 : i32
      %dma_start3A_104 = tpu.memref_slice %arg11[%dma_start3A_102, %dma_start3A_103] : memref<5248x128xf32, #tpu.memory_space<vmem_shared>> -> memref<5248x128xf32, #tpu.memory_space<vmem_shared>>
      tpu.enqueue_indirect_dma source(%arg10 : memref<80x128xf32, #tpu.memory_space<vmem>>) target(%dma_start3A_104 : memref<5248x128xf32, #tpu.memory_space<vmem_shared>>) offsets(%dma_start3A_101 : memref<80xi32, #tpu.memory_space<vmem>>) semaphore(%run_scoped3A_98 : memref<!tpu.dma_semaphore, #tpu.memory_space<semaphore_mem>>) {add = true}
      %dma_wait3A_105 = arith.constant 0 : i32
      %dma_wait3A_106 = tpu.memref_slice %arg8[%run_scoped3A_87, %dma_wait3A_105] : memref<250x80xi32, #tpu.memory_space<vmem>> -> memref<1x80xi32, #tpu.memory_space<vmem>>
      %dma_wait3A_107 = tpu.memref_squeeze %dma_wait3A_106 : memref<1x80xi32, #tpu.memory_space<vmem>> -> memref<80xi32, #tpu.memory_space<vmem>>
      %dma_wait3A_108 = arith.constant 0 : i32
      %dma_wait3A_109 = arith.constant 0 : i32
      %dma_wait3A_110 = tpu.memref_slice %arg11[%dma_wait3A_108, %dma_wait3A_109] : memref<5248x128xf32, #tpu.memory_space<vmem_shared>> -> memref<5248x128xf32, #tpu.memory_space<vmem_shared>>
      tpu.wait_indirect_dma semaphore(%run_scoped3A_98 : memref<!tpu.dma_semaphore, #tpu.memory_space<semaphore_mem>>) src(%arg10 : memref<80x128xf32, #tpu.memory_space<vmem>>) dst(%dma_wait3A_110 : memref<5248x128xf32, #tpu.memory_space<vmem_shared>>)
      tpu.yield
    }) : () -> ()
    %barrier3A_88 = arith.constant 0 : index
    tpu.barrier barrier_id(%barrier3A_88)
    %mul3A_89 = arith.constant 320 : i32
    %mul3A_90 = arith.muli %arg1, %mul3A_89 : i32
    %mul3A_91 = arith.constant 5120 : i32
    %mul3A_92 = arith.muli %arg0, %mul3A_91 : i32
    %add3A_93 = arith.constant 10240 : i32
    %add3A_94 = arith.addi %add3A_93, %mul3A_92 : i32
    %mul3A_95 = arith.constant 320 : i32
    %mul3A_96 = arith.muli %arg1, %mul3A_95 : i32
    %add3A_97 = arith.addi %add3A_94, %mul3A_96 : i32
    "tpu.region"() ({
      %run_scoped3A_98 = tpu.sem_alloc : memref<!tpu.dma_semaphore, #tpu.memory_space<semaphore_mem>>
      %dma_start3A_99 = arith.constant 0 : i32
      %dma_start3A_100 = tpu.memref_slice %arg6[%add3A_97, %dma_start3A_99] : memref<20480x128xf32, #tpu.memory_space<hbm>> -> memref<320x128xf32, #tpu.memory_space<hbm>>
      %dma_start3A_101 = arith.constant 0 : i32
      %dma_start3A_102 = tpu.memref_slice %arg11[%mul3A_90, %dma_start3A_101] : memref<5248x128xf32, #tpu.memory_space<vmem_shared>> -> memref<320x128xf32, #tpu.memory_space<vmem_shared>>
      tpu.enqueue_dma source(%dma_start3A_102 : memref<320x128xf32, #tpu.memory_space<vmem_shared>>) target(%dma_start3A_100 : memref<320x128xf32, #tpu.memory_space<hbm>>) target_semaphore(%run_scoped3A_98 : memref<!tpu.dma_semaphore, #tpu.memory_space<semaphore_mem>>)
      %dma_wait3A_103 = arith.constant 0 : i32
      %dma_wait3A_104 = tpu.memref_slice %arg6[%add3A_97, %dma_wait3A_103] : memref<20480x128xf32, #tpu.memory_space<hbm>> -> memref<320x128xf32, #tpu.memory_space<hbm>>
      %dma_wait3A_105 = arith.constant 0 : i32
      %dma_wait3A_106 = tpu.memref_slice %arg11[%mul3A_90, %dma_wait3A_105] : memref<5248x128xf32, #tpu.memory_space<vmem_shared>> -> memref<320x128xf32, #tpu.memory_space<vmem_shared>>
      tpu.wait_dma2 semaphore(%run_scoped3A_98 : memref<!tpu.dma_semaphore, #tpu.memory_space<semaphore_mem>>) src(%dma_wait3A_106 : memref<320x128xf32, #tpu.memory_space<vmem_shared>>) dst(%dma_wait3A_104 : memref<320x128xf32, #tpu.memory_space<hbm>>)
      tpu.yield
    }) : () -> ()
    return
  }
}

module attributes {stable_mosaic.version = 14 : i64} {
  func.func @_mlp1_body(%arg0: i32, %arg1: memref<1024x128xf32, #tpu.memory_space<vmem>>, %arg2: memref<1024x128xf32, #tpu.memory_space<vmem>>, %arg3: memref<128x256xf32, #tpu.memory_space<vmem>>, %arg4: memref<1x256xf32, #tpu.memory_space<vmem>>, %arg5: memref<256x256xf32, #tpu.memory_space<vmem>>, %arg6: memref<1x256xf32, #tpu.memory_space<vmem>>, %arg7: memref<2x1024x128xf32, #tpu.memory_space<vmem>>) attributes {dimension_semantics = [#tpu.dimension_semantics<arbitrary>], iteration_bounds = array<i64: 10>, scalar_prefetch = 0 : i64, scratch_operands = 0 : i64, tpu.core_type = #tpu.core_type<tc>, window_params = [{transform_indices = @transform_0, window_bounds = array<i64: 1024, 128>}, {transform_indices = @transform_1, window_bounds = array<i64: 1024, 128>}, {pipeline_mode = #tpu.pipeline_mode<synchronous>, transform_indices = @transform_2, window_bounds = array<i64: 128, 256>}, {pipeline_mode = #tpu.pipeline_mode<synchronous>, transform_indices = @transform_3, window_bounds = array<i64: 1, 256>}, {pipeline_mode = #tpu.pipeline_mode<synchronous>, transform_indices = @transform_4, window_bounds = array<i64: 256, 256>}, {pipeline_mode = #tpu.pipeline_mode<synchronous>, transform_indices = @transform_5, window_bounds = array<i64: 1, 256>}, {transform_indices = @transform_6, window_bounds = array<i64: 2, 1024, 128>}]} {
    %get3A = arith.constant 0 : index
    %get3A_0 = arith.constant 0 : index
    %get3A_1 = vector.load %arg1[%get3A, %get3A_0] : memref<1024x128xf32, #tpu.memory_space<vmem>>, vector<1024x128xf32>
    %get3A_2 = arith.constant 0 : index
    %get3A_3 = arith.constant 0 : index
    %get3A_4 = vector.load %arg2[%get3A_2, %get3A_3] : memref<1024x128xf32, #tpu.memory_space<vmem>>, vector<1024x128xf32>
    %add3A = arith.addf %get3A_1, %get3A_4 : vector<1024x128xf32>
    %get3A_5 = arith.constant 0 : index
    %get3A_6 = arith.constant 0 : index
    %get3A_7 = vector.load %arg3[%get3A_5, %get3A_6] : memref<128x256xf32, #tpu.memory_space<vmem>>, vector<128x256xf32>
    %dot_general3A = arith.constant dense<0.000000e+00> : vector<1024x256xf32>
    %dot_general3A_8 = tpu.matmul %add3A, %get3A_7, %dot_general3A {dimension_numbers = #tpu.dot_dimension_numbers<[1], [0], [0], [1], [0, 0, 1, 1], [], []>, transpose_lhs_hint = false} : vector<1024x128xf32>, vector<128x256xf32>, vector<1024x256xf32> -> vector<1024x256xf32>
    %get3A_9 = arith.constant 0 : index
    %get3A_10 = arith.constant 0 : index
    %get3A_11 = vector.load %arg4[%get3A_9, %get3A_10] : memref<1x256xf32, #tpu.memory_space<vmem>>, vector<1x256xf32>
    %add3A_12 = vector.broadcast %get3A_11 : vector<1x256xf32> to vector<1024x256xf32>
    %add3A_13 = arith.addf %dot_general3A_8, %add3A_12 : vector<1024x256xf32>
    %max3A = arith.constant 0.000000e+00 : f32
    %max3A_14 = vector.broadcast %max3A : f32 to vector<1024x256xf32>
    %max3A_15 = arith.maximumf %add3A_13, %max3A_14 : vector<1024x256xf32>
    %get3A_16 = arith.constant 0 : index
    %get3A_17 = arith.constant 0 : index
    %get3A_18 = vector.load %arg5[%get3A_16, %get3A_17] : memref<256x256xf32, #tpu.memory_space<vmem>>, vector<256x256xf32>
    %dot_general3A_19 = arith.constant dense<0.000000e+00> : vector<1024x256xf32>
    %dot_general3A_20 = tpu.matmul %max3A_15, %get3A_18, %dot_general3A_19 {dimension_numbers = #tpu.dot_dimension_numbers<[1], [0], [0], [1], [0, 0, 1, 1], [], []>, transpose_lhs_hint = false} : vector<1024x256xf32>, vector<256x256xf32>, vector<1024x256xf32> -> vector<1024x256xf32>
    %get3A_21 = arith.constant 0 : index
    %get3A_22 = arith.constant 0 : index
    %get3A_23 = vector.load %arg6[%get3A_21, %get3A_22] : memref<1x256xf32, #tpu.memory_space<vmem>>, vector<1x256xf32>
    %add3A_24 = vector.broadcast %get3A_23 : vector<1x256xf32> to vector<1024x256xf32>
    %add3A_25 = arith.addf %dot_general3A_20, %add3A_24 : vector<1024x256xf32>
    %max3A_26 = arith.constant 0.000000e+00 : f32
    %max3A_27 = vector.broadcast %max3A_26 : f32 to vector<1024x256xf32>
    %max3A_28 = arith.maximumf %add3A_25, %max3A_27 : vector<1024x256xf32>
    %slice3A = vector.extract_strided_slice %max3A_28 {offsets = [0, 0], sizes = [1024, 128], strides = [1, 1]} : vector<1024x256xf32> to vector<1024x128xf32>
    %swap3A = arith.constant 0 : index
    %swap3A_29 = arith.constant 0 : index
    %swap3A_30 = arith.constant 0 : index
    %swap3A_31 = vector.load %arg7[%swap3A, %swap3A_29, %swap3A_30] : memref<2x1024x128xf32, #tpu.memory_space<vmem>>, vector<1x1024x128xf32>
    %swap3A_32 = vector.shape_cast %swap3A_31 : vector<1x1024x128xf32> to vector<1024x128xf32>
    %swap3A_33 = vector.shape_cast %slice3A : vector<1024x128xf32> to vector<1x1024x128xf32>
    tpu.vector_store %arg7[%swap3A, %swap3A_29, %swap3A_30], %swap3A_33 {strides = array<i32>} : memref<2x1024x128xf32, #tpu.memory_space<vmem>>, vector<1x1024x128xf32>,
    %slice3A_34 = vector.extract_strided_slice %max3A_28 {offsets = [0, 128], sizes = [1024, 128], strides = [1, 1]} : vector<1024x256xf32> to vector<1024x128xf32>
    %swap3A_35 = arith.constant 1 : index
    %swap3A_36 = arith.constant 0 : index
    %swap3A_37 = arith.constant 0 : index
    %swap3A_38 = vector.load %arg7[%swap3A_35, %swap3A_36, %swap3A_37] : memref<2x1024x128xf32, #tpu.memory_space<vmem>>, vector<1x1024x128xf32>
    %swap3A_39 = vector.shape_cast %swap3A_38 : vector<1x1024x128xf32> to vector<1024x128xf32>
    %swap3A_40 = vector.shape_cast %slice3A_34 : vector<1024x128xf32> to vector<1x1024x128xf32>
    tpu.vector_store %arg7[%swap3A_35, %swap3A_36, %swap3A_37], %swap3A_40 {strides = array<i32>} : memref<2x1024x128xf32, #tpu.memory_space<vmem>>, vector<1x1024x128xf32>,
    return
  }
  func.func @transform_0(%arg0: i32) -> (i32, i32) {
    %c0_i32 = arith.constant 0 : i32
    %c0_i32_0 = arith.constant 0 : i32
    return %arg0, %c0_i32 : i32, i32
  }
  func.func @transform_1(%arg0: i32) -> (i32, i32) {
    %c0_i32 = arith.constant 0 : i32
    %c0_i32_0 = arith.constant 0 : i32
    return %arg0, %c0_i32 : i32, i32
  }
  func.func @transform_2(%arg0: i32) -> (i32, i32) {
    %c0_i32 = arith.constant 0 : i32
    %c0_i32_0 = arith.constant 0 : i32
    %c0_i32_1 = arith.constant 0 : i32
    return %c0_i32, %c0_i32_0 : i32, i32
  }
  func.func @transform_3(%arg0: i32) -> (i32, i32) {
    %c0_i32 = arith.constant 0 : i32
    %c0_i32_0 = arith.constant 0 : i32
    %c0_i32_1 = arith.constant 0 : i32
    return %c0_i32, %c0_i32_0 : i32, i32
  }
  func.func @transform_4(%arg0: i32) -> (i32, i32) {
    %c0_i32 = arith.constant 0 : i32
    %c0_i32_0 = arith.constant 0 : i32
    %c0_i32_1 = arith.constant 0 : i32
    return %c0_i32, %c0_i32_0 : i32, i32
  }
  func.func @transform_5(%arg0: i32) -> (i32, i32) {
    %c0_i32 = arith.constant 0 : i32
    %c0_i32_0 = arith.constant 0 : i32
    %c0_i32_1 = arith.constant 0 : i32
    return %c0_i32, %c0_i32_0 : i32, i32
  }
  func.func @transform_6(%arg0: i32) -> (i32, i32, i32) {
    %c0_i32 = arith.constant 0 : i32
    %c0_i32_0 = arith.constant 0 : i32
    %c0_i32_1 = arith.constant 0 : i32
    return %c0_i32, %arg0, %c0_i32_0 : i32, i32, i32
  }
}

module attributes {stable_mosaic.version = 14 : i64} {
  func.func @_mlp2_body(%arg0: i32, %arg1: memref<2x1024x128xf32, #tpu.memory_space<vmem>>, %arg2: memref<2x1024x128xf32, #tpu.memory_space<vmem>>, %arg3: memref<256x256xf32, #tpu.memory_space<vmem>>, %arg4: memref<1x256xf32, #tpu.memory_space<vmem>>, %arg5: memref<256x256xf32, #tpu.memory_space<vmem>>, %arg6: memref<1x256xf32, #tpu.memory_space<vmem>>, %arg7: memref<2x1024x128xf32, #tpu.memory_space<vmem>>) attributes {dimension_semantics = [#tpu.dimension_semantics<arbitrary>], iteration_bounds = array<i64: 10>, scalar_prefetch = 0 : i64, scratch_operands = 0 : i64, tpu.core_type = #tpu.core_type<tc>, window_params = [{transform_indices = @transform_0, window_bounds = array<i64: 2, 1024, 128>}, {transform_indices = @transform_1, window_bounds = array<i64: 2, 1024, 128>}, {pipeline_mode = #tpu.pipeline_mode<synchronous>, transform_indices = @transform_2, window_bounds = array<i64: 256, 256>}, {pipeline_mode = #tpu.pipeline_mode<synchronous>, transform_indices = @transform_3, window_bounds = array<i64: 1, 256>}, {pipeline_mode = #tpu.pipeline_mode<synchronous>, transform_indices = @transform_4, window_bounds = array<i64: 256, 256>}, {pipeline_mode = #tpu.pipeline_mode<synchronous>, transform_indices = @transform_5, window_bounds = array<i64: 1, 256>}, {transform_indices = @transform_6, window_bounds = array<i64: 2, 1024, 128>}]} {
    %get3A = arith.constant 0 : index
    %get3A_0 = arith.constant 0 : index
    %get3A_1 = arith.constant 0 : index
    %get3A_2 = vector.load %arg1[%get3A, %get3A_0, %get3A_1] : memref<2x1024x128xf32, #tpu.memory_space<vmem>>, vector<1x1024x128xf32>
    %get3A_3 = vector.shape_cast %get3A_2 : vector<1x1024x128xf32> to vector<1024x128xf32>
    %get3A_4 = arith.constant 0 : index
    %get3A_5 = arith.constant 0 : index
    %get3A_6 = arith.constant 0 : index
    %get3A_7 = vector.load %arg2[%get3A_4, %get3A_5, %get3A_6] : memref<2x1024x128xf32, #tpu.memory_space<vmem>>, vector<1x1024x128xf32>
    %get3A_8 = vector.shape_cast %get3A_7 : vector<1x1024x128xf32> to vector<1024x128xf32>
    %add3A = arith.addf %get3A_3, %get3A_8 : vector<1024x128xf32>
    %get3A_9 = arith.constant 1 : index
    %get3A_10 = arith.constant 0 : index
    %get3A_11 = arith.constant 0 : index
    %get3A_12 = vector.load %arg1[%get3A_9, %get3A_10, %get3A_11] : memref<2x1024x128xf32, #tpu.memory_space<vmem>>, vector<1x1024x128xf32>
    %get3A_13 = vector.shape_cast %get3A_12 : vector<1x1024x128xf32> to vector<1024x128xf32>
    %get3A_14 = arith.constant 1 : index
    %get3A_15 = arith.constant 0 : index
    %get3A_16 = arith.constant 0 : index
    %get3A_17 = vector.load %arg2[%get3A_14, %get3A_15, %get3A_16] : memref<2x1024x128xf32, #tpu.memory_space<vmem>>, vector<1x1024x128xf32>
    %get3A_18 = vector.shape_cast %get3A_17 : vector<1x1024x128xf32> to vector<1024x128xf32>
    %add3A_19 = arith.addf %get3A_13, %get3A_18 : vector<1024x128xf32>
    %concatenate3A = tpu.concatenate %add3A, %add3A_19 in 1 : vector<1024x128xf32>, vector<1024x128xf32> -> vector<1024x256xf32>
    %get3A_20 = arith.constant 0 : index
    %get3A_21 = arith.constant 0 : index
    %get3A_22 = vector.load %arg3[%get3A_20, %get3A_21] : memref<256x256xf32, #tpu.memory_space<vmem>>, vector<256x256xf32>
    %dot_general3A = arith.constant dense<0.000000e+00> : vector<1024x256xf32>
    %dot_general3A_23 = tpu.matmul %concatenate3A, %get3A_22, %dot_general3A {dimension_numbers = #tpu.dot_dimension_numbers<[1], [0], [0], [1], [0, 0, 1, 1], [], []>, transpose_lhs_hint = false} : vector<1024x256xf32>, vector<256x256xf32>, vector<1024x256xf32> -> vector<1024x256xf32>
    %get3A_24 = arith.constant 0 : index
    %get3A_25 = arith.constant 0 : index
    %get3A_26 = vector.load %arg4[%get3A_24, %get3A_25] : memref<1x256xf32, #tpu.memory_space<vmem>>, vector<1x256xf32>
    %add3A_27 = vector.broadcast %get3A_26 : vector<1x256xf32> to vector<1024x256xf32>
    %add3A_28 = arith.addf %dot_general3A_23, %add3A_27 : vector<1024x256xf32>
    %max3A = arith.constant 0.000000e+00 : f32
    %max3A_29 = vector.broadcast %max3A : f32 to vector<1024x256xf32>
    %max3A_30 = arith.maximumf %add3A_28, %max3A_29 : vector<1024x256xf32>
    %get3A_31 = arith.constant 0 : index
    %get3A_32 = arith.constant 0 : index
    %get3A_33 = vector.load %arg5[%get3A_31, %get3A_32] : memref<256x256xf32, #tpu.memory_space<vmem>>, vector<256x256xf32>
    %dot_general3A_34 = arith.constant dense<0.000000e+00> : vector<1024x256xf32>
    %dot_general3A_35 = tpu.matmul %max3A_30, %get3A_33, %dot_general3A_34 {dimension_numbers = #tpu.dot_dimension_numbers<[1], [0], [0], [1], [0, 0, 1, 1], [], []>, transpose_lhs_hint = false} : vector<1024x256xf32>, vector<256x256xf32>, vector<1024x256xf32> -> vector<1024x256xf32>
    %get3A_36 = arith.constant 0 : index
    %get3A_37 = arith.constant 0 : index
    %get3A_38 = vector.load %arg6[%get3A_36, %get3A_37] : memref<1x256xf32, #tpu.memory_space<vmem>>, vector<1x256xf32>
    %add3A_39 = vector.broadcast %get3A_38 : vector<1x256xf32> to vector<1024x256xf32>
    %add3A_40 = arith.addf %dot_general3A_35, %add3A_39 : vector<1024x256xf32>
    %max3A_41 = arith.constant 0.000000e+00 : f32
    %max3A_42 = vector.broadcast %max3A_41 : f32 to vector<1024x256xf32>
    %max3A_43 = arith.maximumf %add3A_40, %max3A_42 : vector<1024x256xf32>
    %slice3A = vector.extract_strided_slice %max3A_43 {offsets = [0, 0], sizes = [1024, 128], strides = [1, 1]} : vector<1024x256xf32> to vector<1024x128xf32>
    %swap3A = arith.constant 0 : index
    %swap3A_44 = arith.constant 0 : index
    %swap3A_45 = arith.constant 0 : index
    %swap3A_46 = vector.load %arg7[%swap3A, %swap3A_44, %swap3A_45] : memref<2x1024x128xf32, #tpu.memory_space<vmem>>, vector<1x1024x128xf32>
    %swap3A_47 = vector.shape_cast %swap3A_46 : vector<1x1024x128xf32> to vector<1024x128xf32>
    %swap3A_48 = vector.shape_cast %slice3A : vector<1024x128xf32> to vector<1x1024x128xf32>
    tpu.vector_store %arg7[%swap3A, %swap3A_44, %swap3A_45], %swap3A_48 {strides = array<i32>} : memref<2x1024x128xf32, #tpu.memory_space<vmem>>, vector<1x1024x128xf32>,
    %slice3A_49 = vector.extract_strided_slice %max3A_43 {offsets = [0, 128], sizes = [1024, 128], strides = [1, 1]} : vector<1024x256xf32> to vector<1024x128xf32>
    %swap3A_50 = arith.constant 1 : index
    %swap3A_51 = arith.constant 0 : index
    %swap3A_52 = arith.constant 0 : index
    %swap3A_53 = vector.load %arg7[%swap3A_50, %swap3A_51, %swap3A_52] : memref<2x1024x128xf32, #tpu.memory_space<vmem>>, vector<1x1024x128xf32>
    %swap3A_54 = vector.shape_cast %swap3A_53 : vector<1x1024x128xf32> to vector<1024x128xf32>
    %swap3A_55 = vector.shape_cast %slice3A_49 : vector<1024x128xf32> to vector<1x1024x128xf32>
    tpu.vector_store %arg7[%swap3A_50, %swap3A_51, %swap3A_52], %swap3A_55 {strides = array<i32>} : memref<2x1024x128xf32, #tpu.memory_space<vmem>>, vector<1x1024x128xf32>,
    return
  }
  func.func @transform_0(%arg0: i32) -> (i32, i32, i32) {
    %c0_i32 = arith.constant 0 : i32
    %c0_i32_0 = arith.constant 0 : i32
    %c0_i32_1 = arith.constant 0 : i32
    return %c0_i32, %arg0, %c0_i32_0 : i32, i32, i32
  }
  func.func @transform_1(%arg0: i32) -> (i32, i32, i32) {
    %c0_i32 = arith.constant 0 : i32
    %c0_i32_0 = arith.constant 0 : i32
    %c0_i32_1 = arith.constant 0 : i32
    return %c0_i32, %arg0, %c0_i32_0 : i32, i32, i32
  }
  func.func @transform_2(%arg0: i32) -> (i32, i32) {
    %c0_i32 = arith.constant 0 : i32
    %c0_i32_0 = arith.constant 0 : i32
    %c0_i32_1 = arith.constant 0 : i32
    return %c0_i32, %c0_i32_0 : i32, i32
  }
  func.func @transform_3(%arg0: i32) -> (i32, i32) {
    %c0_i32 = arith.constant 0 : i32
    %c0_i32_0 = arith.constant 0 : i32
    %c0_i32_1 = arith.constant 0 : i32
    return %c0_i32, %c0_i32_0 : i32, i32
  }
  func.func @transform_4(%arg0: i32) -> (i32, i32) {
    %c0_i32 = arith.constant 0 : i32
    %c0_i32_0 = arith.constant 0 : i32
    %c0_i32_1 = arith.constant 0 : i32
    return %c0_i32, %c0_i32_0 : i32, i32
  }
  func.func @transform_5(%arg0: i32) -> (i32, i32) {
    %c0_i32 = arith.constant 0 : i32
    %c0_i32_0 = arith.constant 0 : i32
    %c0_i32_1 = arith.constant 0 : i32
    return %c0_i32, %c0_i32_0 : i32, i32
  }
  func.func @transform_6(%arg0: i32) -> (i32, i32, i32) {
    %c0_i32 = arith.constant 0 : i32
    %c0_i32_0 = arith.constant 0 : i32
    %c0_i32_1 = arith.constant 0 : i32
    return %c0_i32, %arg0, %c0_i32_0 : i32, i32, i32
  }
}

module attributes {stable_mosaic.version = 14 : i64} {
  func.func @_final_body(%arg0: memref<2x72x128xf32, #tpu.memory_space<vmem>>, %arg1: memref<72x128xf32, #tpu.memory_space<vmem>>, %arg2: memref<256x10xf32, #tpu.memory_space<vmem>>, %arg3: memref<1x10xf32, #tpu.memory_space<vmem>>, %arg4: memref<64x10xf32, #tpu.memory_space<vmem>>) attributes {dimension_semantics = [], scalar_prefetch = 0 : i64, scratch_operands = 0 : i64, tpu.core_type = #tpu.core_type<tc>} {
    %get3A = arith.constant 0 : index
    %get3A_0 = arith.constant 0 : index
    %get3A_1 = arith.constant 0 : index
    %get3A_2 = vector.load %arg0[%get3A, %get3A_0, %get3A_1] : memref<2x72x128xf32, #tpu.memory_space<vmem>>, vector<1x64x128xf32>
    %get3A_3 = vector.shape_cast %get3A_2 : vector<1x64x128xf32> to vector<64x128xf32>
    %get3A_4 = arith.constant 1 : index
    %get3A_5 = arith.constant 0 : index
    %get3A_6 = arith.constant 0 : index
    %get3A_7 = vector.load %arg0[%get3A_4, %get3A_5, %get3A_6] : memref<2x72x128xf32, #tpu.memory_space<vmem>>, vector<1x64x128xf32>
    %get3A_8 = vector.shape_cast %get3A_7 : vector<1x64x128xf32> to vector<64x128xf32>
    %concatenate3A = tpu.concatenate %get3A_3, %get3A_8 in 1 : vector<64x128xf32>, vector<64x128xf32> -> vector<64x256xf32>
    %get3A_9 = arith.constant 0 : index
    %get3A_10 = arith.constant 0 : index
    %get3A_11 = vector.load %arg1[%get3A_9, %get3A_10] : memref<72x128xf32, #tpu.memory_space<vmem>>, vector<64x1xf32>
    %max3A = arith.constant 1.000000e+00 : f32
    %max3A_12 = vector.broadcast %max3A : f32 to vector<64x1xf32>
    %max3A_13 = arith.maximumf %get3A_11, %max3A_12 : vector<64x1xf32>
    %div3A = vector.broadcast %max3A_13 : vector<64x1xf32> to vector<64x256xf32>
    %div3A_14 = arith.divf %concatenate3A, %div3A : vector<64x256xf32>
    %get3A_15 = arith.constant 0 : index
    %get3A_16 = arith.constant 0 : index
    %get3A_17 = vector.load %arg2[%get3A_15, %get3A_16] : memref<256x10xf32, #tpu.memory_space<vmem>>, vector<256x10xf32>
    %dot_general3A = arith.constant dense<0.000000e+00> : vector<64x10xf32>
    %dot_general3A_18 = tpu.matmul %div3A_14, %get3A_17, %dot_general3A {dimension_numbers = #tpu.dot_dimension_numbers<[1], [0], [0], [1], [0, 0, 1, 1], [], []>, transpose_lhs_hint = false} : vector<64x256xf32>, vector<256x10xf32>, vector<64x10xf32> -> vector<64x10xf32>
    %get3A_19 = arith.constant 0 : index
    %get3A_20 = arith.constant 0 : index
    %get3A_21 = vector.load %arg3[%get3A_19, %get3A_20] : memref<1x10xf32, #tpu.memory_space<vmem>>, vector<1x10xf32>
    %add3A = vector.broadcast %get3A_21 : vector<1x10xf32> to vector<64x10xf32>
    %add3A_22 = arith.addf %dot_general3A_18, %add3A : vector<64x10xf32>
    %reduce_max3A = arith.constant dense<0xFF800000> : vector<64xf32>
    %reduce_max3A_23 = vector.multi_reduction <maximumf>, %add3A_22, %reduce_max3A [1] : vector<64x10xf32> to vector<64xf32>
    %broadcast_in_dim3A = vector.shape_cast %reduce_max3A_23 : vector<64xf32> to vector<64x1xf32>
    %sub3A = vector.broadcast %broadcast_in_dim3A : vector<64x1xf32> to vector<64x10xf32>
    %sub3A_24 = arith.subf %add3A_22, %sub3A : vector<64x10xf32>
    %exp3A = math.exp %sub3A_24 : vector<64x10xf32>
    %reduce_sum3A = arith.constant dense<0.000000e+00> : vector<64xf32>
    %reduce_sum3A_25 = vector.multi_reduction <add>, %exp3A, %reduce_sum3A [1] : vector<64x10xf32> to vector<64xf32>
    %broadcast_in_dim3A_26 = vector.shape_cast %reduce_sum3A_25 : vector<64xf32> to vector<64x1xf32>
    %log3A = math.log %broadcast_in_dim3A_26 : vector<64x1xf32>
    %add3A_27 = arith.addf %log3A, %broadcast_in_dim3A : vector<64x1xf32>
    %sub3A_28 = vector.broadcast %add3A_27 : vector<64x1xf32> to vector<64x10xf32>
    %sub3A_29 = arith.subf %add3A_22, %sub3A_28 : vector<64x10xf32>
    %swap3A = arith.constant 0 : index
    %swap3A_30 = arith.constant 0 : index
    %swap3A_31 = vector.load %arg4[%swap3A, %swap3A_30] : memref<64x10xf32, #tpu.memory_space<vmem>>, vector<64x10xf32>
    tpu.vector_store %arg4[%swap3A, %swap3A_30], %sub3A_29 {strides = array<i32>} : memref<64x10xf32, #tpu.memory_space<vmem>>, vector<64x10xf32>,
    return
  }
}

</mosaic_0001>

<sc_bundles>
// kernel: kernel.11.cloned.1.call-start
scs
__scs_entry_jumppad:
0x0: {  	(pc) =	sbr.rel $0x88, $3  }
0x1: {  	(tag) =	ssettag $0x0;
	lr =	simm.s32 $0x1  }
0x2: {  	[smem:$0x3F94] =	sst lr;
	_ =	strace $0xD0000000  }
0x3: {  	_ = 	snop  }
0x4: {  	_ = 	snop  }
0x5: {  	_ = 	snop  }
0x6: {  	_ = 	snop  }
0x7: {  	_ = 	snop  }
__scs_overlays_trampoline_lowered:
0x8: {  	[smem:$0x3FA3] =	sst s0  }
0x9: {  	[smem:$0x3FA4] =	sst s1  }
0xa: {  	[smem:$0x3FA5] =	sst s2  }
0xb: {  	[smem:$0x3FA6] =	sst s3  }
0xc: {  	[smem:$0x3FA7] =	sst s4  }
0xd: {  	[smem:$0x3FA8] =	sst s5  }
0xe: {  	[smem:$0x3FA9] =	sst s6  }
0xf: {  	[smem:$0x3FAA] =	sst s7  }
0x10: {  	[smem:$0x3FAB] =	sst s8  }
0x11: {  	[smem:$0x3FAC] =	sst s9;
	s0 =	simm.s32 @!p0 $0x0  }
0x12: {  	s1 =	sld [smem:$0x3F92];
	s0 =	simm.s32 @p0 $0x1  }
0x13: {  	[smem:$0x3FAD] =	sst s0;
	s0 =	simm.s32 @!p1 $0x0  }
0x14: {  	s2 =	sld [smem:$0x3F91];
	s0 =	simm.s32 @p1 $0x1  }
0x15: {  	[smem:$0x3FAE] =	sst s0;
	s0 =	simm.s32 @!p2 $0x0  }
0x16: {  	s3 =	sld [smem:$0x3FDB];
	s0 =	simm.s32 @p2 $0x1  }
0x17: {  	s4 =	simm.s32 $0x1BF5;
	[smem:$0x3FB0] =	sst s0  }
0x18: {  	s0 =	sld [smem:$0x3F93];
	_ =	swait.ge [sflag:s4], $0x0  }
0x19: {  	s7 =	sld [smem:$0x3F94]  }
0x1a: {  	s8 =	sadd.s32 $0xFFFFE003, lr  }
0x1b: {  	s9 =	sadd.s32 $0xFFFFFEF7, lr;
	s5 =	simm.s32 $0xFFFFFFFF;
	p2 =	slt.u32 s8, $0xFFFFF086  }
0x1c: {  	p1 =	slt.u32 s9, $0xF7A;
	s5 =	simm.s32 @!p2 $0x0  }
0x1d: {  	s5 =	simm.s32 @p1 $0x1;
	p0 =	seq.s32 s7, s2  }
0x1e: {  	s7 =	smul.u32 @!p0 $0xF7A, s2;
	p2 =	seq.s32 @!p0 s5, $0x0  }
0x1f: {  	s9 =	smul.u32 $0xF7A, s1;
	s8 =	simm.s32 @!p0 $0x1BF5;
	p2 =	por !p2, p0  }
0x20: {  	[sflag:s8] =	ssyncset.s32 @!p0 $0xFFFFF086;
	s6 =	sadd.s32 @!p0 s3, s7;
	s7 =	simm.s32 @!p0 $0x108  }
0x21: {  	s3 =	sadd.s32 s3, s9;
	s6 =	sadd.s32 @!p0 $0x88, s6;
	s7 =	simm.s32 @p2 $0x1082  }
0x22: {  	[simem:s7], [sflag:s8] =	dma.local @!p0 [hbm:s6], $0xF7A  }
0x23: {  	s9 =	sor.u32 $0xD0000000, s2;
	s6 =	simm.s32 $0x108;
	_ =	swait.ge @!p0 [sflag:s8], $0x0  }
0x24: {  	s3 =	sadd.s32 $0x88, s3;
	s6 =	simm.s32 @!p1 $0x1082;
	[sflag:s4] =	ssyncset.s32 $0xFFFFF086  }
0x25: {  	[simem:s6], [sflag:s4] =	dma.local [hbm:s3], $0xF7A  }
0x26: {  	[smem:$0x3F94] =	sst s1;
	(tag) =	ssettag s2;
	_ =	strace s9  }
0x27: {  	s1 =	sld [smem:$0x3FA4]  }
0x28: {  	s2 =	sld [smem:$0x3FA5]  }
0x29: {  	s4 =	sld [smem:$0x3FA7]  }
0x2a: {  	p0 =	seq.s32 s5, $0x0;
	s5 =	sld [smem:$0x3FA8]  }
0x2b: {  	s6 =	sld [smem:$0x3FA9]  }
0x2c: {  	s7 =	sld [smem:$0x3FAA]  }
0x2d: {  	s3 =	simm.s32 $0x108;
	s8 =	sld [smem:$0x3FAB]  }
0x2e: {  	s3 =	simm.s32 @!p0 $0x1082;
	s9 =	sld [smem:$0x3FAC]  }
0x2f: {  	lr =	sadd.s32 s0, s3;
	s0 =	sld [smem:$0x3FA3]  }
0x30: {  	s3 =	sld [smem:$0x3FA6]  }
0x31: {  	[smem:$0x3FAF] =	sst s10  }
0x32: {  	s10 =	sld [smem:$0x3FAD];
	_ =	sdelay $0x3  }
0x33: {  	p0 =	seq.s32 s10, $0x1;
	s10 =	sld [smem:$0x3FAF];
	_ =	sdelay $0x3  }
0x34: {  	[smem:$0x3FAF] =	sst s10  }
0x35: {  	s10 =	sld [smem:$0x3FAE];
	_ =	sdelay $0x3  }
0x36: {  	p1 =	seq.s32 s10, $0x1;
	s10 =	sld [smem:$0x3FAF];
	_ =	sdelay $0x3  }
0x37: {  	[smem:$0x3FAF] =	sst s10  }
0x38: {  	s10 =	sld [smem:$0x3FB0]  }
0x39: {  	_ = 	snop;
	(pc) =	sbr.ind lr, $3  }
0x3a: {  	_ = 	snop  }
0x3b: {  	_ = 	snop  }
0x3c: {  	p2 =	seq.s32 s10, $0x1;
	s10 =	sld [smem:$0x3FAF]  }
0x3d: {  	_ =	shalt  }
0x3e: {  	_ =	shalt  }
0x3f: {  	_ =	shalt  }
0x40: {  	_ =	shalt  }
0x41: {  	_ =	shalt  }
0x42: {  	_ =	shalt  }
0x43: {  	_ =	shalt  }
0x44: {  	_ =	shalt  }
0x45: {  	_ =	shalt  }
0x46: {  	_ =	shalt  }
0x47: {  	_ =	shalt  }
0x48: {  	_ =	shalt  }
0x49: {  	_ =	shalt  }
0x4a: {  	_ =	shalt  }
0x4b: {  	_ =	shalt  }
0x4c: {  	_ =	shalt  }
0x4d: {  	_ =	shalt  }
0x4e: {  	_ =	shalt  }
0x4f: {  	_ =	shalt  }
0x50: {  	_ =	shalt  }
0x51: {  	_ =	shalt  }
0x52: {  	_ =	shalt  }
0x53: {  	_ =	shalt  }
0x54: {  	_ =	shalt  }
0x55: {  	_ =	shalt  }
0x56: {  	_ =	shalt  }
0x57: {  	_ =	shalt  }
0x58: {  	_ =	shalt  }
0x59: {  	_ =	shalt  }
0x5a: {  	_ =	shalt  }
0x5b: {  	_ =	shalt  }
0x5c: {  	_ =	shalt  }
0x5d: {  	_ =	shalt  }
0x5e: {  	_ =	shalt  }
0x5f: {  	_ =	shalt  }
0x60: {  	_ =	shalt  }
0x61: {  	_ =	shalt  }
0x62: {  	_ =	shalt  }
0x63: {  	_ =	shalt  }
0x64: {  	_ =	shalt  }
0x65: {  	_ =	shalt  }
0x66: {  	_ =	shalt  }
0x67: {  	_ =	shalt  }
0x68: {  	_ =	shalt  }
0x69: {  	_ =	shalt  }
0x6a: {  	_ =	shalt  }
0x6b: {  	_ =	shalt  }
0x6c: {  	_ =	shalt  }
0x6d: {  	_ =	shalt  }
0x6e: {  	_ =	shalt  }
0x6f: {  	_ =	shalt  }
0x70: {  	_ =	shalt  }
0x71: {  	_ =	shalt  }
0x72: {  	_ =	shalt  }
0x73: {  	_ =	shalt  }
0x74: {  	_ =	shalt  }
0x75: {  	_ =	shalt  }
0x76: {  	_ =	shalt  }
0x77: {  	_ =	shalt  }
0x78: {  	_ =	shalt  }
0x79: {  	_ =	shalt  }
0x7a: {  	_ =	shalt  }
0x7b: {  	_ =	shalt  }
0x7c: {  	_ =	shalt  }
0x7d: {  	_ =	shalt  }
0x7e: {  	_ =	shalt  }
0x7f: {  	_ =	shalt  }
0x80: {  	_ =	shalt  }
0x81: {  	_ =	shalt  }
0x82: {  	_ =	shalt  }
0x83: {  	_ =	shalt  }
0x84: {  	_ =	shalt  }
0x85: {  	_ =	shalt  }
0x86: {  	_ =	shalt  }
0x87: {  	_ =	shalt  }
.Lfunc_end0:
.L_simem_size_0:
called_computation.1_lowered:
.L_overlay_start_0:
0x88: {  	s2 =	sld [smem:$0x3FD9]  }
0x89: {  	s3 =	sld [smem:$0x3FFE];
	_ =	sdelay $0x1  }
0x8a: {  	s1 =	srdreg.scid  }
0x8b: {  	s0 =	sand.u32 $0x1, s1  }
0x8c: {  	s16 =	sshll.u32 s0, $0xA;
	s2 =	sadd.s32 s3, s2  }
0x8d: {  	s2 =	sadd.s32 s2, s16  }
0x8e: {  	[smem:$0x3FBB] =	sst s2  }
0x8f: {  	_ = 	snop  }
0x90: {  	(tm) =	ssettm $0x1  }
0x91: {  	s17 =	sld [smem:$0x3FFB];
	_ =	sdelay $0x3  }
0x92: {  	_ =	strace s17  }
0x93: {  	s2 =	sld [smem:$0x3FFC];
	_ =	sdelay $0x3  }
0x94: {  	_ =	strace s2  }
0x95: {  	s2 =	sld [smem:$0x3FFD];
	_ =	sdelay $0x3  }
0x96: {  	_ =	strace s2  }
0x97: {  	_ =	strace $0x8FFFFFFF  }
0x98: {  	s18 =	sld [smem:$0x3FDB];
	_ =	sdelay $0x1  }
0x99: {  	s19 =	simm.s32 $_scs_section_size  }
0x9a: {  	s4 =	simm.s32 $_size__tile_overlayer_lowered;
	s5 =	simm.s32 $_tile_overlayer_lowered  }
0x9b: {  	s22 =	simm.s32 $0x1BFF;
	s21 =	sshll.u32 s5, $0x1;
	s2 =	sadd.s32 s19, s18  }
0x9c: {  	s6 =	simm.s32 $0x0;
	s20 =	sshll.u32 s4, $0x1;
	s4 =	sadd.s32 s21, s2  }
0x9d: {  	[timem:s6], [sflag:s22] =	dma.local [hbm:s4], s20  }
0x9e: {  	_ =	swait.ge [sflag:s22], s20  }
0x9f: {  	s3 =	ssub.s32 $0x0, s20;
	[sflag:s22] =	ssyncset.done $0x0  }
0xa0: {  	[sflag:s22] =	ssyncadd.s32 s3;
	_ =	sdelay $0x1  }
0xa1: {  	s23 =	simm.s32 $0x1B8B  }
0xa2: {  	_ =	swait.ge [sflag:s23], $0x1  }
0xa3: {  	[sflag:s23] =	ssyncset.done $0x0  }
0xa4: {  	s25 =	simm.s32 $0x1B8E;
	s24 =	sld [smem:$0x3FFE];
	[sflag:s23] =	ssyncadd.s32 $0xFFFFFFFF  }
0xa5: {  	s26 =	simm.s32 $execute0_lowered;
	[smem:$0x3FD2] =	sst s25  }
0xa6: {  	s4 =	sshll.u32 s26, $0x1;
	_ =	strace $0x80000049;
	[dreg:$0x1] =	wrdreg $0xFFFFFFFF  }
0xa7: {  	s28 =	simm.s32 $_size_execute0_lowered;
	s2 =	sadd.s32 s2, s4;
	[dreg:$0x0] =	wrdreg $0x0  }
0xa8: {  	s4 =	sshll.u32 s28, $0x1;
	[dreg:$0x2] =	wrdreg s2  }
0xa9: {  	[dreg:$0x3] =	wrdreg s4  }
0xaa: {  	[dreg:$0x4] =	wrdreg $0xC0  }
0xab: {  	_ =	task [dreg:s6], $0x5FFFF  }
0xac: {  	[dreg:$0x1] =	wrdreg $0xFFFFFFFF  }
0xad: {  	[dreg:$0x0] =	wrdreg $0x60  }
0xae: {  	[dreg:$0x2] =	wrdreg s24  }
0xaf: {  	[dreg:$0x3] =	wrdreg $0x150000  }
0xb0: {  	[dreg:$0x4] =	wrdreg $0x9  }
0xb1: {  	_ =	task.clear_ibuf [dreg:s6], $0x5FFFF;
	_ =	strace $0x90000049  }
0xb2: {  	s29 =	simm.s32 $0x9;
	_ =	strace $0x8000004B  }
0xb3: {  	_ =	swait.ge [sflag:s29], $0x1  }
0xb4: {  	[sflag:s29] =	ssyncadd.s32 $0xFFFFFFFF  }
0xb5: {  	_ =	strace $0x9000004B  }
0xb6: {  	_ =	sfence  }
0xb7: {  	s30 =	sld [smem:$0x0];
	_ =	sdelay $0x2  }
0xb8: {  	s31 =	sshll.u32 s1, $0xD;
	s1 =	sshrl.u32 s1, $0x2  }
0xb9: {  	s3 =	sand.u32 $0x4000, s31;
	s1 =	sadd.s32 s1, s30  }
0xba: {  	s0 =	sor.u32 s3, s0;
	s1 =	sshll.u32 s1, $0x11  }
0xbb: {  	s0 =	sor.u32 s1, s0  }
0xbc: {  	s0 =	sadd.s32 $0x8F2B, s0  }
0xbd: {  	[sflag:s0] =	ssyncadd.remote.s32 $0x1  }
0xbe: {  	_ =	sfence.sel $0xFFFF  }
0xbf: {  	[dreg:$0x0] =	wrdreg $0xFFFFFFFF;
	(pc) =	sbr.abs _section_cstart, $3  }
0xc0: {  	[dreg:$0x1] =	wrdreg $0xFFFFFFFF  }
0xc1: {  	_ =	task.clear_ibuf [dreg:s6], $0x2FFFF;
	_ =	strace $0x9FFFFFFF  }
0xc2: {  	(tm) =	ssettm $0x7FFFFFFF  }
0xc3: {  	_ =	shalt  }
tec
execute0_lowered:
.L_overlay_start_1:
0x0: {  	(tag) =	ssettag $0x1  }
0x1: {  	s5 =	rddreg [dreg:$0x0]  }
0x2: {  	s2 =	rddreg [dreg:$0x1]  }
0x3: {  	s0 =	rddreg [dreg:$0x2];
	s3 =	simm.s32 $0x0  }
0x4: {  	s1 =	stileid.u32;
	s4 =	srdreg.scid;
	s14 =	simm.s32 $0x3  }
0x5: {  	s17 =	simm.s32 $0x50;
	s18 =	simm.s32 $0x10000;
	s19 =	simm.s32 $0x80  }
0x6: {  	s20 =	simm.s32 $0x12800;
	s21 =	simm.s32 $0x1;
	s22 =	simm.s32 $0x2  }
0x7: {  	s23 =	simm.s32 $0xFC00;
	s24 =	simm.s32 $0xFC80;
	s7 =	smul.u32 $0x140, s1  }
0x8: {  	[smem:$0x7FF] =	sst s3;
	s6 =	sand.u32 $0x1, s4;
	s25 =	smul.u32 $0x1480, s1  }
0x9: {  	s8 =	sshll.u32 s1, $0xC;
	s4 =	sadd.s32 $0xB8A00, s5;
	s26 =	smul.u32 $0x29000, s1  }
0xa: {  	s30 =	smul.u32 $0x28000, s1;
	s15 =	sshll.u32 s1, $0x6;
	_ =	strace $0x8000004A  }
0xb: {  	s9 =	sshll.u32 s6, $0x10;
	s10 =	smul.u32 $0x1400, s6;
	s11 =	sadd.s32 s8, s5  }
0xc: {  	s6 =	ssub.s32 $0x2, s6;
	s15 =	sor.u32 $0x1C03, s15;
	s8 =	sor.u32 s8, s9  }
0xd: {  	s9 =	sadd.s32 s25, s5;
	s28 =	sshrl.u32 s6, $0x1;
	s29 =	sshrl.u32 s26, $0x2  }
0xe: {  	s31 =	sshrl.u32 s30, $0x2;
	s25 =	simm.s32 $0x0;
	s8 =	sadd.s32 s8, s5  }
0xf: {  	s7 =	sadd.s32 s7, s10;
	s13 =	ssub.s32 s6, s28;
	s16 =	sadd.s32 s29, s2  }
0x10: {  	s6 =	sadd.s32 $0x5C200, s9;
	s9 =	sadd.s32 s31, s2;
	s7 =	sshll.u32 s7, $0x4  }
0x11: {  	s10 =	sadd.s32 $0xA8A00, s11;
	s16 =	sshrl.u32 s16, $0x3;
	s12 =	sadd.s32 s7, s5  }
0x12: {  	s5 =	sadd.s32 $0x14200, s8;
	s7 =	sadd.s32 $0x98A00, s11;
	s8 =	sadd.s32 $0x108A00, s12  }
0x13: {  	s11 =	sadd.s32 $0x130A00, s12;
	s12 =	smax.u32 s13, $0x1;
	s13 =	simm.s32 $0x8000  }
.LBB2_1:
0x14: {  	[tilespmem:s13], [sflag:$0x3] =	stream.linear.gather [hbm4b:s5+s3], $0x7D00, $0x38;
	[tilespmem:$0x1F400] =	vst v63  }
0x15: {  	_ =	swait.ge [sflag:s14], $0x7D00  }
0x16: {  	[sflag:s14] =	ssyncset.done $0x0  }
0x17: {  	[sflag:s14] =	ssyncadd.s32 $0xFFFF8300  }
0x18: {  	[spmem:s16], [sflag:s15] =	dma.local [hbm:s6], $0x1480  }
0x19: {  	_ =	swait.ge [sflag:s14], $0x1480  }
0x1a: {  	[sflag:s14] =	ssyncset.done $0x0  }
0x1b: {  	[sflag:s14] =	ssyncadd.s32 $0xFFFFEB80  }
0x1c: {  	[tilespmem:s3], [sflag:$0x3] =	stream.linear.gather [hbm4b:s7+s3], $0x7D00, $0x38;
	[tilespmem:$0x1F400] =	vst v63  }
0x1d: {  	_ =	swait.ge [sflag:s14], $0x7D00  }
0x1e: {  	[sflag:s14] =	ssyncset.done $0x0  }
0x1f: {  	[sflag:s14] =	ssyncadd.s32 $0xFFFF8300  }
0x20: {  	[bflag:$0x0] =	sbarrier.arrive $0xFFFF  }
0x21: {  	[tilespmem:s18], [sflag:$0x1] =	stream.indirect.gather [hbm4b:s4+s17], $0x80, s3, s17, $0xb8;
	[tilespmem:$0x1F400] =	vst v63  }
0x22: {  	_ = 	snop  }
0x23: {  	[tilespmem:s20], [sflag:$0x2] =	stream.indirect.gather [hbm4b:s4+s17], $0x80, s19, s17, $0xb8;
	[tilespmem:$0x1F400] =	vst v63  }
0x24: {  	_ =	swait.ge [sflag:s21], $0x2800  }
0x25: {  	[sflag:s21] =	ssyncset.done $0x0  }
0x26: {  	s26 =	simm.s32 $0x8000;
	[sflag:s21] =	ssyncadd.s32 $0xFFFFD800  }
0x27: {  	[spmem:s2] =	stream.indirect.scatter.add.f32 [tilespmem:s18], [sflag:$0x3], $0x80, s26, s17, $0xb8;
	[tilespmem:$0x1F400] =	vst v63  }
0x28: {  	_ =	swait.ge [sflag:s14], $0x2800  }
0x29: {  	[sflag:s14] =	ssyncset.done $0x0  }
0x2a: {  	s30 =	simm.s32 $0x100;
	[sflag:s14] =	ssyncadd.s32 $0xFFFFD800  }
0x2b: {  	[tilespmem:s18], [sflag:$0x1] =	stream.indirect.gather [hbm4b:s4+s17], $0x80, s30, s17, $0xb8;
	[tilespmem:$0x1F400] =	vst v63  }
0x2c: {  	_ =	swait.ge [sflag:s22], $0x2800  }
0x2d: {  	[sflag:s22] =	ssyncset.done $0x0  }
0x2e: {  	s31 =	simm.s32 $0x8080;
	[sflag:s22] =	ssyncadd.s32 $0xFFFFD800  }
0x2f: {  	[spmem:s2] =	stream.indirect.scatter.add.f32 [tilespmem:s20], [sflag:$0x3], $0x80, s31, s17, $0xb8;
	[tilespmem:$0x1F400] =	vst v63  }
0x30: {  	_ =	swait.ge [sflag:s14], $0x2800  }
0x31: {  	[sflag:s14] =	ssyncset.done $0x0  }
0x32: {  	s28 =	simm.s32 $0x180;
	s26 =	simm.s32 $0x400;
	[sflag:s14] =	ssyncadd.s32 $0xFFFFD800  }
.LBB2_2:
0x33: {  	[tilespmem:s20], [sflag:$0x2] =	stream.indirect.gather [hbm4b:s4+s17], $0x80, s28, s17, $0xb8;
	[tilespmem:$0x1F400] =	vst v63  }
0x34: {  	s28 =	smov.u32 s26  }
0x35: {  	p0 =	sne.s32 s26, $0x1EC00;
	s26 =	sadd.s32 $0x400, s26;
	_ =	swait.ge [sflag:s21], $0x2800  }
0x36: {  	s28 =	sshra.s32 s28, $0x2;
	[sflag:s21] =	ssyncset.done $0x0  }
0x37: {  	s29 =	sadd.s32 $0x8000, s28;
	[sflag:s21] =	ssyncadd.s32 $0xFFFFD800  }
0x38: {  	[spmem:s2] =	stream.indirect.scatter.add.f32 [tilespmem:s18], [sflag:$0x3], $0x80, s29, s17, $0xb8;
	[tilespmem:$0x1F400] =	vst v63  }
0x39: {  	_ =	swait.ge [sflag:s14], $0x2800  }
0x3a: {  	[sflag:s14] =	ssyncset.done $0x0  }
0x3b: {  	s29 =	sadd.s32 $0x100, s28;
	[sflag:s14] =	ssyncadd.s32 $0xFFFFD800  }
0x3c: {  	[tilespmem:s18], [sflag:$0x1] =	stream.indirect.gather [hbm4b:s4+s17], $0x80, s29, s17, $0xb8;
	[tilespmem:$0x1F400] =	vst v63  }
0x3d: {  	_ =	swait.ge [sflag:s22], $0x2800  }
0x3e: {  	[sflag:s22] =	ssyncset.done $0x0  }
.Ltmp0:
0x3f: {  	s29 =	sadd.s32 $0x8080, s28;
	[sflag:s22] =	ssyncadd.s32 $0xFFFFD800;
	(pc) =	sbr.rel @p0 .LBB2_2-.Ltmp0, $4  }
0x40: {  	[spmem:s2] =	stream.indirect.scatter.add.f32 [tilespmem:s20], [sflag:$0x3], $0x80, s29, s17, $0xb8;
	[tilespmem:$0x1F400] =	vst v63  }
0x41: {  	_ =	swait.ge [sflag:s14], $0x2800  }
0x42: {  	[sflag:s14] =	ssyncset.done $0x0  }
0x43: {  	s28 =	sadd.s32 $0x180, s28;
	[sflag:s14] =	ssyncadd.s32 $0xFFFFD800  }
0x44: {  	[tilespmem:s20], [sflag:$0x2] =	stream.indirect.gather [hbm4b:s4+s17], $0x80, s28, s17, $0xb8;
	[tilespmem:$0x1F400] =	vst v63  }
0x45: {  	_ =	swait.ge [sflag:s21], $0x2800  }
0x46: {  	[sflag:s21] =	ssyncset.done $0x0  }
0x47: {  	[sflag:s21] =	ssyncadd.s32 $0xFFFFD800  }
0x48: {  	[spmem:s2] =	stream.indirect.scatter.add.f32 [tilespmem:s18], [sflag:$0x3], $0x80, s23, s17, $0xb8;
	[tilespmem:$0x1F400] =	vst v63  }
0x49: {  	_ =	swait.ge [sflag:s14], $0x2800  }
0x4a: {  	[sflag:s14] =	ssyncset.done $0x0  }
0x4b: {  	[sflag:s14] =	ssyncadd.s32 $0xFFFFD800  }
0x4c: {  	_ =	swait.ge [sflag:s22], $0x2800  }
0x4d: {  	[sflag:s22] =	ssyncset.done $0x0  }
0x4e: {  	[sflag:s22] =	ssyncadd.s32 $0xFFFFD800  }
0x4f: {  	[spmem:s2] =	stream.indirect.scatter.add.f32 [tilespmem:s20], [sflag:$0x3], $0x80, s24, s17, $0xb8;
	[tilespmem:$0x1F400] =	vst v63  }
0x50: {  	_ =	swait.ge [sflag:s14], $0x2800  }
0x51: {  	[sflag:s14] =	ssyncset.done $0x0  }
0x52: {  	[sflag:s14] =	ssyncadd.s32 $0xFFFFD800  }
0x53: {  	s26 =	sshrl.u32 s9, $0x3;
	[bflag:$0x0] =	sbarrier.arrive $0xFFFF  }
0x54: {  	[hbm:s8], [sflag:s15] =	dma.local [spmem:s26], $0x1400  }
0x55: {  	_ =	swait.ge [sflag:s14], $0x1400  }
0x56: {  	[sflag:s14] =	ssyncset.done $0x0  }
0x57: {  	[sflag:s14] =	ssyncadd.s32 $0xFFFFEC00  }
0x58: {  	[bflag:$0x0] =	sbarrier.arrive $0xFFFF  }
0x59: {  	[spmem:s16], [sflag:s15] =	dma.local [hbm:s6], $0x1480  }
0x5a: {  	_ =	swait.ge [sflag:s14], $0x1480  }
0x5b: {  	[sflag:s14] =	ssyncset.done $0x0  }
0x5c: {  	s28 =	simm.s32 $0x0;
	[sflag:s14] =	ssyncadd.s32 $0xFFFFEB80  }
0x5d: {  	[tilespmem:s28], [sflag:$0x3] =	stream.linear.gather [hbm4b:s10+s28], $0x7D00, $0x38;
	[tilespmem:$0x1F400] =	vst v63  }
0x5e: {  	_ =	swait.ge [sflag:s14], $0x7D00  }
0x5f: {  	[sflag:s14] =	ssyncset.done $0x0  }
0x60: {  	[sflag:s14] =	ssyncadd.s32 $0xFFFF8300  }
0x61: {  	[bflag:$0x0] =	sbarrier.arrive $0xFFFF  }
0x62: {  	[tilespmem:s18], [sflag:$0x1] =	stream.indirect.gather [hbm4b:s4+s17], $0x80, s28, s17, $0xb8;
	[tilespmem:$0x1F400] =	vst v63  }
0x63: {  	_ = 	snop  }
0x64: {  	[tilespmem:s20], [sflag:$0x2] =	stream.indirect.gather [hbm4b:s4+s17], $0x80, s19, s17, $0xb8;
	[tilespmem:$0x1F400] =	vst v63  }
0x65: {  	_ =	swait.ge [sflag:s21], $0x2800  }
0x66: {  	[sflag:s21] =	ssyncset.done $0x0  }
0x67: {  	s28 =	simm.s32 $0x8000;
	[sflag:s21] =	ssyncadd.s32 $0xFFFFD800  }
0x68: {  	[spmem:s2] =	stream.indirect.scatter.add.f32 [tilespmem:s18], [sflag:$0x3], $0x80, s28, s17, $0xb8;
	[tilespmem:$0x1F400] =	vst v63  }
0x69: {  	_ =	swait.ge [sflag:s14], $0x2800  }
0x6a: {  	[sflag:s14] =	ssyncset.done $0x0  }
0x6b: {  	s28 =	simm.s32 $0x100;
	[sflag:s14] =	ssyncadd.s32 $0xFFFFD800  }
0x6c: {  	[tilespmem:s18], [sflag:$0x1] =	stream.indirect.gather [hbm4b:s4+s17], $0x80, s28, s17, $0xb8;
	[tilespmem:$0x1F400] =	vst v63  }
0x6d: {  	_ =	swait.ge [sflag:s22], $0x2800  }
0x6e: {  	[sflag:s22] =	ssyncset.done $0x0  }
0x6f: {  	s28 =	simm.s32 $0x8080;
	[sflag:s22] =	ssyncadd.s32 $0xFFFFD800  }
0x70: {  	[spmem:s2] =	stream.indirect.scatter.add.f32 [tilespmem:s20], [sflag:$0x3], $0x80, s28, s17, $0xb8;
	[tilespmem:$0x1F400] =	vst v63  }
0x71: {  	_ =	swait.ge [sflag:s14], $0x2800  }
0x72: {  	[sflag:s14] =	ssyncset.done $0x0  }
0x73: {  	s29 =	simm.s32 $0x180;
	s28 =	simm.s32 $0x400;
	[sflag:s14] =	ssyncadd.s32 $0xFFFFD800  }
.LBB2_4:
0x74: {  	[tilespmem:s20], [sflag:$0x2] =	stream.indirect.gather [hbm4b:s4+s17], $0x80, s29, s17, $0xb8;
	[tilespmem:$0x1F400] =	vst v63  }
0x75: {  	s29 =	smov.u32 s28  }
0x76: {  	p0 =	sne.s32 s28, $0x1EC00;
	s28 =	sadd.s32 $0x400, s28;
	_ =	swait.ge [sflag:s21], $0x2800  }
0x77: {  	s29 =	sshra.s32 s29, $0x2;
	[sflag:s21] =	ssyncset.done $0x0  }
0x78: {  	s30 =	sadd.s32 $0x8000, s29;
	[sflag:s21] =	ssyncadd.s32 $0xFFFFD800  }
0x79: {  	[spmem:s2] =	stream.indirect.scatter.add.f32 [tilespmem:s18], [sflag:$0x3], $0x80, s30, s17, $0xb8;
	[tilespmem:$0x1F400] =	vst v63  }
0x7a: {  	_ =	swait.ge [sflag:s14], $0x2800  }
0x7b: {  	[sflag:s14] =	ssyncset.done $0x0  }
0x7c: {  	s30 =	sadd.s32 $0x100, s29;
	[sflag:s14] =	ssyncadd.s32 $0xFFFFD800  }
0x7d: {  	[tilespmem:s18], [sflag:$0x1] =	stream.indirect.gather [hbm4b:s4+s17], $0x80, s30, s17, $0xb8;
	[tilespmem:$0x1F400] =	vst v63  }
0x7e: {  	_ =	swait.ge [sflag:s22], $0x2800  }
0x7f: {  	[sflag:s22] =	ssyncset.done $0x0  }
.Ltmp1:
0x80: {  	s30 =	sadd.s32 $0x8080, s29;
	[sflag:s22] =	ssyncadd.s32 $0xFFFFD800;
	(pc) =	sbr.rel @p0 .LBB2_4-.Ltmp1, $4  }
0x81: {  	[spmem:s2] =	stream.indirect.scatter.add.f32 [tilespmem:s20], [sflag:$0x3], $0x80, s30, s17, $0xb8;
	[tilespmem:$0x1F400] =	vst v63  }
0x82: {  	_ =	swait.ge [sflag:s14], $0x2800  }
0x83: {  	[sflag:s14] =	ssyncset.done $0x0  }
0x84: {  	s29 =	sadd.s32 $0x180, s29;
	[sflag:s14] =	ssyncadd.s32 $0xFFFFD800  }
0x85: {  	[tilespmem:s20], [sflag:$0x2] =	stream.indirect.gather [hbm4b:s4+s17], $0x80, s29, s17, $0xb8;
	[tilespmem:$0x1F400] =	vst v63  }
0x86: {  	_ =	swait.ge [sflag:s21], $0x2800  }
0x87: {  	[sflag:s21] =	ssyncset.done $0x0  }
0x88: {  	[sflag:s21] =	ssyncadd.s32 $0xFFFFD800  }
0x89: {  	[spmem:s2] =	stream.indirect.scatter.add.f32 [tilespmem:s18], [sflag:$0x3], $0x80, s23, s17, $0xb8;
	[tilespmem:$0x1F400] =	vst v63  }
0x8a: {  	_ =	swait.ge [sflag:s14], $0x2800  }
0x8b: {  	[sflag:s14] =	ssyncset.done $0x0  }
0x8c: {  	[sflag:s14] =	ssyncadd.s32 $0xFFFFD800  }
0x8d: {  	_ =	swait.ge [sflag:s22], $0x2800  }
0x8e: {  	[sflag:s22] =	ssyncset.done $0x0  }
0x8f: {  	[sflag:s22] =	ssyncadd.s32 $0xFFFFD800  }
0x90: {  	[spmem:s2] =	stream.indirect.scatter.add.f32 [tilespmem:s20], [sflag:$0x3], $0x80, s24, s17, $0xb8;
	[tilespmem:$0x1F400] =	vst v63  }
0x91: {  	_ =	swait.ge [sflag:s14], $0x2800  }
0x92: {  	s25 =	sadd.s32 $0x1, s25;
	[sflag:s14] =	ssyncset.done $0x0  }
0x93: {  	p0 =	sne.s32 s25, s12;
	[sflag:s14] =	ssyncadd.s32 $0xFFFFD800  }
.Ltmp2:
0x94: {  	[bflag:$0x0] =	sbarrier.arrive $0xFFFF;
	(pc) =	sbr.rel @p0 .LBB2_1-.Ltmp2, $4  }
0x95: {  	[hbm:s11], [sflag:s15] =	dma.local [spmem:s26], $0x1400  }
0x96: {  	_ =	swait.ge [sflag:s14], $0x1400  }
0x97: {  	[sflag:s14] =	ssyncset.done $0x0  }
0x98: {  	[sflag:s14] =	ssyncadd.s32 $0xFFFFEC00  }
0x99: {  	_ =	sfence.sel $0x180000  }
0x9a: {  	[bflag:$0x0] =	sbarrier.arrive $0xFFFF  }
0x9b: {  	p0 =	sne.s32 s1, $0x0;
	_ =	strace $0x9000004A  }
0x9c: {  	s0 =	sadd.s32 @!p0 $0x100000, s0;
	[bflag:$0x2] =	sbarrier.arrive $0xFFFF  }
0x9d: {  	[sflag:s0] =	ssyncadd.tile.s32 @!p0 $0x1;
	_ =	shalt  }
.Lfunc_end2:
_tile_overlayer_lowered:
.L_overlay_start_2:
0x9e: {  	(tag) =	ssettag $0x2  }
0x9f: {  	s0 =	rddreg [dreg:$0x0];
	s2 =	stileid.u32  }
0xa0: {  	s1 =	rddreg [dreg:$0x1];
	p0 =	sne.s32 s2, $0x0  }
0xa1: {  	s3 =	rddreg [dreg:$0x2];
	[bflag:$0x3] =	sbarrier.arrive $0xFFFF;
	s2 =	simm.s32 @!p0 $0x1C03  }
0xa2: {  	[timem:s3], [sflag:s2] =	dma.local @!p0 [hbm:s0], s1  }
0xa3: {  	s0 =	simm.s32 @!p0 $0x3  }
0xa4: {  	_ =	swait.ge @!p0 [sflag:s0], s1  }
0xa5: {  	s1 =	ssub.s32 @!p0 $0x0, s1;
	[sflag:s0] =	ssyncset.done @!p0 $0x0  }
0xa6: {  	[sflag:s0] =	ssyncadd.s32 @!p0 s1  }
0xa7: {  	[bflag:$0x3] =	sbarrier.arrive $0xFFFF  }
0xa8: {  	_ =	shalt  }

// kernel: kernel.14.cloned.1.call-start
scs
__scs_entry_jumppad:
0x0: {  	(pc) =	sbr.rel $0x88, $3  }
0x1: {  	(tag) =	ssettag $0x0;
	lr =	simm.s32 $0x1  }
0x2: {  	[smem:$0x3F94] =	sst lr;
	_ =	strace $0xD0000000  }
0x3: {  	_ = 	snop  }
0x4: {  	_ = 	snop  }
0x5: {  	_ = 	snop  }
0x6: {  	_ = 	snop  }
0x7: {  	_ = 	snop  }
__scs_overlays_trampoline_lowered:
0x8: {  	[smem:$0x3FA3] =	sst s0  }
0x9: {  	[smem:$0x3FA4] =	sst s1  }
0xa: {  	[smem:$0x3FA5] =	sst s2  }
0xb: {  	[smem:$0x3FA6] =	sst s3  }
0xc: {  	[smem:$0x3FA7] =	sst s4  }
0xd: {  	[smem:$0x3FA8] =	sst s5  }
0xe: {  	[smem:$0x3FA9] =	sst s6  }
0xf: {  	[smem:$0x3FAA] =	sst s7  }
0x10: {  	[smem:$0x3FAB] =	sst s8  }
0x11: {  	[smem:$0x3FAC] =	sst s9;
	s0 =	simm.s32 @!p0 $0x0  }
0x12: {  	s1 =	sld [smem:$0x3F92];
	s0 =	simm.s32 @p0 $0x1  }
0x13: {  	[smem:$0x3FAD] =	sst s0;
	s0 =	simm.s32 @!p1 $0x0  }
0x14: {  	s2 =	sld [smem:$0x3F91];
	s0 =	simm.s32 @p1 $0x1  }
0x15: {  	[smem:$0x3FAE] =	sst s0;
	s0 =	simm.s32 @!p2 $0x0  }
0x16: {  	s3 =	sld [smem:$0x3FDB];
	s0 =	simm.s32 @p2 $0x1  }
0x17: {  	s4 =	simm.s32 $0x1BF5;
	[smem:$0x3FB0] =	sst s0  }
0x18: {  	s0 =	sld [smem:$0x3F93];
	_ =	swait.ge [sflag:s4], $0x0  }
0x19: {  	s7 =	sld [smem:$0x3F94]  }
0x1a: {  	s8 =	sadd.s32 $0xFFFFE003, lr  }
0x1b: {  	s9 =	sadd.s32 $0xFFFFFEF7, lr;
	s5 =	simm.s32 $0xFFFFFFFF;
	p2 =	slt.u32 s8, $0xFFFFF086  }
0x1c: {  	p1 =	slt.u32 s9, $0xF7A;
	s5 =	simm.s32 @!p2 $0x0  }
0x1d: {  	s5 =	simm.s32 @p1 $0x1;
	p0 =	seq.s32 s7, s2  }
0x1e: {  	s7 =	smul.u32 @!p0 $0xF7A, s2;
	p2 =	seq.s32 @!p0 s5, $0x0  }
0x1f: {  	s9 =	smul.u32 $0xF7A, s1;
	s8 =	simm.s32 @!p0 $0x1BF5;
	p2 =	por !p2, p0  }
0x20: {  	[sflag:s8] =	ssyncset.s32 @!p0 $0xFFFFF086;
	s6 =	sadd.s32 @!p0 s3, s7;
	s7 =	simm.s32 @!p0 $0x108  }
0x21: {  	s3 =	sadd.s32 s3, s9;
	s6 =	sadd.s32 @!p0 $0x88, s6;
	s7 =	simm.s32 @p2 $0x1082  }
0x22: {  	[simem:s7], [sflag:s8] =	dma.local @!p0 [hbm:s6], $0xF7A  }
0x23: {  	s9 =	sor.u32 $0xD0000000, s2;
	s6 =	simm.s32 $0x108;
	_ =	swait.ge @!p0 [sflag:s8], $0x0  }
0x24: {  	s3 =	sadd.s32 $0x88, s3;
	s6 =	simm.s32 @!p1 $0x1082;
	[sflag:s4] =	ssyncset.s32 $0xFFFFF086  }
0x25: {  	[simem:s6], [sflag:s4] =	dma.local [hbm:s3], $0xF7A  }
0x26: {  	[smem:$0x3F94] =	sst s1;
	(tag) =	ssettag s2;
	_ =	strace s9  }
0x27: {  	s1 =	sld [smem:$0x3FA4]  }
0x28: {  	s2 =	sld [smem:$0x3FA5]  }
0x29: {  	s4 =	sld [smem:$0x3FA7]  }
0x2a: {  	p0 =	seq.s32 s5, $0x0;
	s5 =	sld [smem:$0x3FA8]  }
0x2b: {  	s6 =	sld [smem:$0x3FA9]  }
0x2c: {  	s7 =	sld [smem:$0x3FAA]  }
0x2d: {  	s3 =	simm.s32 $0x108;
	s8 =	sld [smem:$0x3FAB]  }
0x2e: {  	s3 =	simm.s32 @!p0 $0x1082;
	s9 =	sld [smem:$0x3FAC]  }
0x2f: {  	lr =	sadd.s32 s0, s3;
	s0 =	sld [smem:$0x3FA3]  }
0x30: {  	s3 =	sld [smem:$0x3FA6]  }
0x31: {  	[smem:$0x3FAF] =	sst s10  }
0x32: {  	s10 =	sld [smem:$0x3FAD];
	_ =	sdelay $0x3  }
0x33: {  	p0 =	seq.s32 s10, $0x1;
	s10 =	sld [smem:$0x3FAF];
	_ =	sdelay $0x3  }
0x34: {  	[smem:$0x3FAF] =	sst s10  }
0x35: {  	s10 =	sld [smem:$0x3FAE];
	_ =	sdelay $0x3  }
0x36: {  	p1 =	seq.s32 s10, $0x1;
	s10 =	sld [smem:$0x3FAF];
	_ =	sdelay $0x3  }
0x37: {  	[smem:$0x3FAF] =	sst s10  }
0x38: {  	s10 =	sld [smem:$0x3FB0]  }
0x39: {  	_ = 	snop;
	(pc) =	sbr.ind lr, $3  }
0x3a: {  	_ = 	snop  }
0x3b: {  	_ = 	snop  }
0x3c: {  	p2 =	seq.s32 s10, $0x1;
	s10 =	sld [smem:$0x3FAF]  }
0x3d: {  	_ =	shalt  }
0x3e: {  	_ =	shalt  }
0x3f: {  	_ =	shalt  }
0x40: {  	_ =	shalt  }
0x41: {  	_ =	shalt  }
0x42: {  	_ =	shalt  }
0x43: {  	_ =	shalt  }
0x44: {  	_ =	shalt  }
0x45: {  	_ =	shalt  }
0x46: {  	_ =	shalt  }
0x47: {  	_ =	shalt  }
0x48: {  	_ =	shalt  }
0x49: {  	_ =	shalt  }
0x4a: {  	_ =	shalt  }
0x4b: {  	_ =	shalt  }
0x4c: {  	_ =	shalt  }
0x4d: {  	_ =	shalt  }
0x4e: {  	_ =	shalt  }
0x4f: {  	_ =	shalt  }
0x50: {  	_ =	shalt  }
0x51: {  	_ =	shalt  }
0x52: {  	_ =	shalt  }
0x53: {  	_ =	shalt  }
0x54: {  	_ =	shalt  }
0x55: {  	_ =	shalt  }
0x56: {  	_ =	shalt  }
0x57: {  	_ =	shalt  }
0x58: {  	_ =	shalt  }
0x59: {  	_ =	shalt  }
0x5a: {  	_ =	shalt  }
0x5b: {  	_ =	shalt  }
0x5c: {  	_ =	shalt  }
0x5d: {  	_ =	shalt  }
0x5e: {  	_ =	shalt  }
0x5f: {  	_ =	shalt  }
0x60: {  	_ =	shalt  }
0x61: {  	_ =	shalt  }
0x62: {  	_ =	shalt  }
0x63: {  	_ =	shalt  }
0x64: {  	_ =	shalt  }
0x65: {  	_ =	shalt  }
0x66: {  	_ =	shalt  }
0x67: {  	_ =	shalt  }
0x68: {  	_ =	shalt  }
0x69: {  	_ =	shalt  }
0x6a: {  	_ =	shalt  }
0x6b: {  	_ =	shalt  }
0x6c: {  	_ =	shalt  }
0x6d: {  	_ =	shalt  }
0x6e: {  	_ =	shalt  }
0x6f: {  	_ =	shalt  }
0x70: {  	_ =	shalt  }
0x71: {  	_ =	shalt  }
0x72: {  	_ =	shalt  }
0x73: {  	_ =	shalt  }
0x74: {  	_ =	shalt  }
0x75: {  	_ =	shalt  }
0x76: {  	_ =	shalt  }
0x77: {  	_ =	shalt  }
0x78: {  	_ =	shalt  }
0x79: {  	_ =	shalt  }
0x7a: {  	_ =	shalt  }
0x7b: {  	_ =	shalt  }
0x7c: {  	_ =	shalt  }
0x7d: {  	_ =	shalt  }
0x7e: {  	_ =	shalt  }
0x7f: {  	_ =	shalt  }
0x80: {  	_ =	shalt  }
0x81: {  	_ =	shalt  }
0x82: {  	_ =	shalt  }
0x83: {  	_ =	shalt  }
0x84: {  	_ =	shalt  }
0x85: {  	_ =	shalt  }
0x86: {  	_ =	shalt  }
0x87: {  	_ =	shalt  }
.Lfunc_end0:
.L_simem_size_0:
called_computation.2_lowered:
.L_overlay_start_0:
0x88: {  	s2 =	sld [smem:$0x3FD9]  }
0x89: {  	s3 =	sld [smem:$0x3FFE];
	_ =	sdelay $0x1  }
0x8a: {  	s1 =	srdreg.scid  }
0x8b: {  	s0 =	sand.u32 $0x1, s1  }
0x8c: {  	s16 =	sshll.u32 s0, $0xA;
	s2 =	sadd.s32 s3, s2  }
0x8d: {  	s2 =	sadd.s32 s2, s16  }
0x8e: {  	[smem:$0x3FBB] =	sst s2  }
0x8f: {  	_ = 	snop  }
0x90: {  	(tm) =	ssettm $0x1  }
0x91: {  	s17 =	sld [smem:$0x3FFB];
	_ =	sdelay $0x3  }
0x92: {  	_ =	strace s17  }
0x93: {  	s2 =	sld [smem:$0x3FFC];
	_ =	sdelay $0x3  }
0x94: {  	_ =	strace s2  }
0x95: {  	s2 =	sld [smem:$0x3FFD];
	_ =	sdelay $0x3  }
0x96: {  	_ =	strace s2  }
0x97: {  	_ =	strace $0x8FFFFFFF  }
0x98: {  	s18 =	sld [smem:$0x3FDB];
	_ =	sdelay $0x1  }
0x99: {  	s19 =	simm.s32 $_scs_section_size  }
0x9a: {  	s4 =	simm.s32 $_size__tile_overlayer_lowered;
	s5 =	simm.s32 $_tile_overlayer_lowered  }
0x9b: {  	s22 =	simm.s32 $0x1BFF;
	s21 =	sshll.u32 s5, $0x1;
	s2 =	sadd.s32 s19, s18  }
0x9c: {  	s6 =	simm.s32 $0x0;
	s20 =	sshll.u32 s4, $0x1;
	s4 =	sadd.s32 s21, s2  }
0x9d: {  	[timem:s6], [sflag:s22] =	dma.local [hbm:s4], s20  }
0x9e: {  	_ =	swait.ge [sflag:s22], s20  }
0x9f: {  	s3 =	ssub.s32 $0x0, s20;
	[sflag:s22] =	ssyncset.done $0x0  }
0xa0: {  	[sflag:s22] =	ssyncadd.s32 s3;
	_ =	sdelay $0x1  }
0xa1: {  	s23 =	simm.s32 $0x1B8B  }
0xa2: {  	_ =	swait.ge [sflag:s23], $0x1  }
0xa3: {  	[sflag:s23] =	ssyncset.done $0x0  }
0xa4: {  	s25 =	simm.s32 $0x1B8E;
	s24 =	sld [smem:$0x3FFE];
	[sflag:s23] =	ssyncadd.s32 $0xFFFFFFFF  }
0xa5: {  	s26 =	simm.s32 $execute0_lowered;
	[smem:$0x3FD2] =	sst s25  }
0xa6: {  	s4 =	sshll.u32 s26, $0x1;
	_ =	strace $0x8000004C;
	[dreg:$0x1] =	wrdreg $0xFFFFFFFF  }
0xa7: {  	s28 =	simm.s32 $_size_execute0_lowered;
	s2 =	sadd.s32 s2, s4;
	[dreg:$0x0] =	wrdreg $0x0  }
0xa8: {  	s4 =	sshll.u32 s28, $0x1;
	[dreg:$0x2] =	wrdreg s2  }
0xa9: {  	[dreg:$0x3] =	wrdreg s4  }
0xaa: {  	[dreg:$0x4] =	wrdreg $0xC0  }
0xab: {  	_ =	task [dreg:s6], $0x5FFFF  }
0xac: {  	[dreg:$0x1] =	wrdreg $0xFFFFFFFF  }
0xad: {  	[dreg:$0x0] =	wrdreg $0x60  }
0xae: {  	[dreg:$0x2] =	wrdreg s24  }
0xaf: {  	[dreg:$0x3] =	wrdreg $0x84000  }
0xb0: {  	[dreg:$0x4] =	wrdreg $0x86400  }
0xb1: {  	[dreg:$0x5] =	wrdreg $0x9  }
0xb2: {  	_ =	task.clear_ibuf [dreg:s6], $0x6FFFF;
	_ =	strace $0x9000004C  }
0xb3: {  	s29 =	simm.s32 $0x9;
	_ =	strace $0x8000004E  }
0xb4: {  	_ =	swait.ge [sflag:s29], $0x1  }
0xb5: {  	[sflag:s29] =	ssyncadd.s32 $0xFFFFFFFF  }
0xb6: {  	_ =	strace $0x9000004E  }
0xb7: {  	_ =	sfence  }
0xb8: {  	s30 =	sld [smem:$0x0];
	_ =	sdelay $0x2  }
0xb9: {  	s31 =	sshll.u32 s1, $0xD;
	s1 =	sshrl.u32 s1, $0x2  }
0xba: {  	s3 =	sand.u32 $0x4000, s31;
	s1 =	sadd.s32 s1, s30  }
0xbb: {  	s0 =	sor.u32 s3, s0;
	s1 =	sshll.u32 s1, $0x11  }
0xbc: {  	s0 =	sor.u32 s1, s0  }
0xbd: {  	s0 =	sadd.s32 $0x8F2B, s0  }
0xbe: {  	[sflag:s0] =	ssyncadd.remote.s32 $0x1  }
0xbf: {  	_ =	sfence.sel $0xFFFF  }
0xc0: {  	[dreg:$0x0] =	wrdreg $0xFFFFFFFF;
	(pc) =	sbr.abs _section_cstart, $3  }
0xc1: {  	[dreg:$0x1] =	wrdreg $0xFFFFFFFF  }
0xc2: {  	_ =	task.clear_ibuf [dreg:s6], $0x2FFFF;
	_ =	strace $0x9FFFFFFF  }
0xc3: {  	(tm) =	ssettm $0x7FFFFFFF  }
tec
execute0_lowered:
.L_overlay_start_1:
0x0: {  	(tag) =	ssettag $0x1  }
0x1: {  	s0 =	rddreg [dreg:$0x0]  }
0x2: {  	s1 =	srdreg.scid;
	s2 =	rddreg [dreg:$0x1]  }
0x3: {  	s6 =	stileid.u32;
	s23 =	rddreg [dreg:$0x3];
	s3 =	simm.s32 $0x0  }
0x4: {  	s19 =	simm.s32 $0x2;
	s14 =	simm.s32 $0x4400;
	s10 =	simm.s32 $0x1  }
0x5: {  	s11 =	simm.s32 $0x80;
	s28 =	simm.s32 $0x100;
	s20 =	simm.s32 $0x180  }
0x6: {  	s16 =	simm.s32 $0x200;
	s5 =	sand.u32 $0x1, s1;
	s1 =	rddreg [dreg:$0x2]  }
0x7: {  	p3 =	por $0x0, $0x0;
	s7 =	smul.u32 $0x280, s6;
	[smem:$0x7FF] =	sst s3  }
0x8: {  	s25 =	sshll.u32 s6, $0x7;
	s18 =	sadd.s32 $0x55200, s0;
	s4 =	smul.u32 $0x2800, s5  }
0x9: {  	s9 =	sadd.s32 $0x54A00, s0;
	_ =	strace $0x8000004D;
	s8 =	smul.u32 $0x480, s5  }
0xa: {  	[dreg:$0x4] =	wrdreg s9;
	s26 =	ssub.s32 $0x2, s5;
	s4 =	sadd.s32 s7, s4  }
0xb: {  	s29 =	sshrl.u32 s26, $0x1;
	s7 =	sadd.s32 s25, s0;
	s4 =	sshll.u32 s4, $0x4  }
0xc: {  	s8 =	sadd.s32 s8, s0;
	s4 =	sadd.s32 s4, s0;
	s0 =	sadd.s32 $0x56200, s0  }
0xd: {  	p0 =	sne.s32 s6, $0x0;
	[dreg:$0x5] =	wrdreg s0;
	s0 =	ssub.s32 s26, s29  }
0xe: {  	s12 =	sor.u32 s5, s6;
	s21 =	sshrl.u32 @!p0 s1, $0x3;
	s0 =	smax.u32 s0, $0x1  }
0xf: {  	p2 =	sne.s32 s5, $0x0;
	p1 =	sne.s32 s12, $0x0;
	s12 =	sadd.s32 $0xFFFFFFFF, s0  }
0x10: {  	s9 =	simm.s32 $0x3;
	s7 =	sadd.s32 $0x4200, s7;
	p4 =	sne.s32 s12, $0x0  }
.Ltmp0:
0x11: {  	s30 =	sadd.s32 $0x55800, s8;
	[dreg:$0x6] =	wrdreg s7;
	(pc) =	sbr.rel @!p4 .LBB2_5-.Ltmp0, $4  }
0x12: {  	s8 =	simm.s32 $0x400;
	[dreg:$0x7] =	wrdreg s30;
	s31 =	sadd.s32 $0x4A00, s4  }
0x13: {  	s17 =	sadd.s32 $0x5200, s4;
	s15 =	sadd.s32 $0x5A00, s4;
	s13 =	sadd.s32 $0x6200, s4  }
0x14: {  	s7 =	sadd.s32 $0x6A00, s4;
	s4 =	sshrl.u32 @!p0 s2, $0x3;
	s0 =	sshll.u32 @!p1 s6, $0x6  }
0x15: {  	[dreg:$0x8] =	wrdreg s31;
	s6 =	sshrl.u32 @!p1 s1, $0x3;
	s5 =	sor.u32 @!p1 $0x1C02, s0  }
0x16: {  	s22 =	simm.s32 @!p0 $0x1C02;
	s23 =	simm.s32 @!p0 $0x2  }
0x17: {  	[spmem:s4], [sflag:s22] =	dma.local @!p0 [hbm:s18], $0x480  }
0x18: {  	_ =	swait.ge @!p0 [sflag:s23], $0x480  }
0x19: {  	[sflag:s23] =	ssyncset.done @!p0 $0x0  }
0x1a: {  	[sflag:s23] =	ssyncadd.s32 @!p0 $0xFFFFFB80  }
0x1b: {  	[spmem:s21], [sflag:s22] =	dma.local @!p0 [hbm:s18], $0x480  }
0x1c: {  	_ =	swait.ge @!p0 [sflag:s23], $0x480  }
0x1d: {  	[sflag:s23] =	ssyncset.done @!p0 $0x0  }
0x1e: {  	s0 =	rddreg [dreg:$0x6];
	[sflag:s23] =	ssyncadd.s32 @!p0 $0xFFFFFB80  }
0x1f: {  	[tilespmem:s3], [sflag:$0x2] =	stream.linear.gather [hbm4b:s0+s3], $0x280, $0x38;
	[tilespmem:$0x8880] =	vst v63  }
0x20: {  	_ =	swait.ge [sflag:s19], $0x280  }
0x21: {  	[sflag:s19] =	ssyncset.done $0x0  }
0x22: {  	s25 =	rddreg [dreg:$0x4];
	[sflag:s19] =	ssyncadd.s32 $0xFFFFFD80  }
0x23: {  	[tilespmem:s14], [sflag:$0x2] =	stream.linear.gather [hbm4b:s25+s3], $0x4000, $0x38;
	[tilespmem:$0x8880] =	vst v63  }
0x24: {  	_ =	swait.ge [sflag:s19], $0x4000  }
0x25: {  	[sflag:s19] =	ssyncset.done $0x0  }
0x26: {  	[sflag:s19] =	ssyncadd.s32 $0xFFFFC000  }
0x27: {  	[bflag:$0x0] =	sbarrier.arrive $0xFFFF  }
0x28: {  	s26 =	rddreg [dreg:$0x8]  }
0x29: {  	[tilespmem:s8], [sflag:$0x1] =	stream.linear.gather [hbm4b:s26+s3], $0x4000, $0x38;
	[tilespmem:$0x8880] =	vst v63  }
0x2a: {  	_ =	swait.ge [sflag:s10], $0x4000  }
0x2b: {  	[sflag:s10] =	ssyncset.done $0x0  }
0x2c: {  	[sflag:s10] =	ssyncadd.s32 $0xFFFFC000  }
0x2d: {  	[spmem:s2] =	stream.indirect.scatter.add.f32 [tilespmem:s8], [sflag:$0x3], $0x80, s3, s11, $0xb8;
	[tilespmem:$0x8880] =	vst v63  }
0x2e: {  	_ =	swait.ge [sflag:s9], $0x4000  }
0x2f: {  	s24 =	simm.s32 @!p2 $0x4400;
	s0 =	simm.s32 @!p2 $0x0;
	[sflag:s9] =	ssyncset.done $0x0  }
0x30: {  	s25 =	simm.s32 @!p2 $0x2;
	s26 =	simm.s32 @!p2 $0x80;
	[sflag:s9] =	ssyncadd.s32 $0xFFFFC000  }
0x31: {  	[spmem:s1] =	stream.indirect.scatter.add.f32 @!p2 [tilespmem:s24], [sflag:$0x2], $0x80, s0, s26, $0xb8;
	[tilespmem:$0x8880] =	vst v63  }
0x32: {  	_ =	swait.ge @!p2 [sflag:s25], $0x4000  }
0x33: {  	[sflag:s25] =	ssyncset.done @!p2 $0x0  }
0x34: {  	[sflag:s25] =	ssyncadd.s32 @!p2 $0xFFFFC000  }
0x35: {  	[tilespmem:s8], [sflag:$0x1] =	stream.linear.gather [hbm4b:s17+s3], $0x4000, $0x38;
	[tilespmem:$0x8880] =	vst v63  }
0x36: {  	_ =	swait.ge [sflag:s10], $0x4000  }
0x37: {  	[sflag:s10] =	ssyncset.done $0x0  }
0x38: {  	[sflag:s10] =	ssyncadd.s32 $0xFFFFC000  }
0x39: {  	[spmem:s2] =	stream.indirect.scatter.add.f32 [tilespmem:s8], [sflag:$0x3], $0x80, s11, s11, $0xb8;
	[tilespmem:$0x8880] =	vst v63  }
0x3a: {  	_ =	swait.ge [sflag:s9], $0x4000  }
0x3b: {  	[sflag:s9] =	ssyncset.done $0x0  }
0x3c: {  	[sflag:s9] =	ssyncadd.s32 $0xFFFFC000  }
0x3d: {  	[spmem:s1] =	stream.indirect.scatter.add.f32 @!p2 [tilespmem:s24], [sflag:$0x2], $0x80, s26, s26, $0xb8;
	[tilespmem:$0x8880] =	vst v63  }
0x3e: {  	_ =	swait.ge @!p2 [sflag:s25], $0x4000  }
0x3f: {  	[sflag:s25] =	ssyncset.done @!p2 $0x0  }
0x40: {  	[sflag:s25] =	ssyncadd.s32 @!p2 $0xFFFFC000  }
0x41: {  	[tilespmem:s8], [sflag:$0x1] =	stream.linear.gather [hbm4b:s15+s3], $0x4000, $0x38;
	[tilespmem:$0x8880] =	vst v63  }
0x42: {  	_ =	swait.ge [sflag:s10], $0x4000  }
0x43: {  	[sflag:s10] =	ssyncset.done $0x0  }
0x44: {  	[sflag:s10] =	ssyncadd.s32 $0xFFFFC000  }
0x45: {  	[spmem:s2] =	stream.indirect.scatter.add.f32 [tilespmem:s8], [sflag:$0x3], $0x80, s28, s11, $0xb8;
	[tilespmem:$0x8880] =	vst v63  }
0x46: {  	_ =	swait.ge [sflag:s9], $0x4000  }
0x47: {  	[sflag:s9] =	ssyncset.done $0x0  }
0x48: {  	s29 =	simm.s32 @!p2 $0x100;
	[sflag:s9] =	ssyncadd.s32 $0xFFFFC000  }
0x49: {  	[spmem:s1] =	stream.indirect.scatter.add.f32 @!p2 [tilespmem:s24], [sflag:$0x2], $0x80, s29, s26, $0xb8;
	[tilespmem:$0x8880] =	vst v63  }
0x4a: {  	_ =	swait.ge @!p2 [sflag:s25], $0x4000  }
0x4b: {  	[sflag:s25] =	ssyncset.done @!p2 $0x0  }
0x4c: {  	[sflag:s25] =	ssyncadd.s32 @!p2 $0xFFFFC000  }
0x4d: {  	[tilespmem:s8], [sflag:$0x1] =	stream.linear.gather [hbm4b:s13+s3], $0x4000, $0x38;
	[tilespmem:$0x8880] =	vst v63  }
0x4e: {  	_ =	swait.ge [sflag:s10], $0x4000  }
0x4f: {  	[sflag:s10] =	ssyncset.done $0x0  }
0x50: {  	[sflag:s10] =	ssyncadd.s32 $0xFFFFC000  }
0x51: {  	[spmem:s2] =	stream.indirect.scatter.add.f32 [tilespmem:s8], [sflag:$0x3], $0x80, s20, s11, $0xb8;
	[tilespmem:$0x8880] =	vst v63  }
0x52: {  	_ =	swait.ge [sflag:s9], $0x4000  }
0x53: {  	[sflag:s9] =	ssyncset.done $0x0  }
0x54: {  	s30 =	simm.s32 @!p2 $0x180;
	[sflag:s9] =	ssyncadd.s32 $0xFFFFC000  }
0x55: {  	[spmem:s1] =	stream.indirect.scatter.add.f32 @!p2 [tilespmem:s24], [sflag:$0x2], $0x80, s30, s26, $0xb8;
	[tilespmem:$0x8880] =	vst v63  }
0x56: {  	_ =	swait.ge @!p2 [sflag:s25], $0x4000  }
0x57: {  	[sflag:s25] =	ssyncset.done @!p2 $0x0  }
0x58: {  	[sflag:s25] =	ssyncadd.s32 @!p2 $0xFFFFC000  }
0x59: {  	[tilespmem:s8], [sflag:$0x1] =	stream.linear.gather [hbm4b:s7+s3], $0x4000, $0x38;
	[tilespmem:$0x8880] =	vst v63  }
0x5a: {  	_ =	swait.ge [sflag:s10], $0x4000  }
0x5b: {  	[sflag:s10] =	ssyncset.done $0x0  }
0x5c: {  	[sflag:s10] =	ssyncadd.s32 $0xFFFFC000  }
0x5d: {  	[spmem:s2] =	stream.indirect.scatter.add.f32 [tilespmem:s8], [sflag:$0x3], $0x80, s16, s11, $0xb8;
	[tilespmem:$0x8880] =	vst v63  }
0x5e: {  	_ =	swait.ge [sflag:s9], $0x4000  }
0x5f: {  	[sflag:s9] =	ssyncset.done $0x0  }
0x60: {  	s31 =	simm.s32 @!p2 $0x200;
	[sflag:s9] =	ssyncadd.s32 $0xFFFFC000  }
0x61: {  	[spmem:s1] =	stream.indirect.scatter.add.f32 @!p2 [tilespmem:s24], [sflag:$0x2], $0x80, s31, s26, $0xb8;
	[tilespmem:$0x8880] =	vst v63  }
0x62: {  	_ =	swait.ge @!p2 [sflag:s25], $0x4000  }
0x63: {  	[sflag:s25] =	ssyncset.done @!p2 $0x0  }
0x64: {  	[sflag:s25] =	ssyncadd.s32 @!p2 $0xFFFFC000  }
0x65: {  	[bflag:$0x0] =	sbarrier.arrive $0xFFFF  }
0x66: {  	s0 =	rddreg [dreg:$0x7]  }
0x67: {  	[hbm:s0], [sflag:s22] =	dma.local @!p0 [spmem:s4], $0x480  }
0x68: {  	s12 =	sadd.s32 $0xFFFFFFFF, s12;
	_ =	swait.ge @!p0 [sflag:s23], $0x480  }
0x69: {  	p4 =	sne.s32 s12, $0x0;
	[sflag:s23] =	ssyncset.done @!p0 $0x0  }
.Ltmp1:
0x6a: {  	s0 =	rddreg [dreg:$0x5];
	[sflag:s23] =	ssyncadd.s32 @!p0 $0xFFFFFB80;
	(pc) =	sbr.rel @!p4 .LBB2_2-.Ltmp1, $4  }
0x6b: {  	[hbm:s0], [sflag:s5] =	dma.local @!p1 [spmem:s6], $0x480  }
0x6c: {  	s0 =	simm.s32 @!p1 $0x2  }
0x6d: {  	p3 =	por $0x1, $0x1;
	s28 =	simm.s32 $0x4400;
	_ =	swait.ge @!p1 [sflag:s0], $0x480  }
0x6e: {  	s20 =	simm.s32 $0x180;
	s16 =	simm.s32 $0x200;
	[sflag:s0] =	ssyncset.done @!p1 $0x0  }
.LBB2_3:
0x6f: {  	[sflag:s0] =	ssyncadd.s32 @!p1 $0xFFFFFB80  }
0x70: {  	[spmem:s4], [sflag:s22] =	dma.local @!p0 [hbm:s18], $0x480  }
0x71: {  	_ =	swait.ge @!p0 [sflag:s23], $0x480  }
0x72: {  	[sflag:s23] =	ssyncset.done @!p0 $0x0  }
0x73: {  	[sflag:s23] =	ssyncadd.s32 @!p0 $0xFFFFFB80  }
0x74: {  	[spmem:s21], [sflag:s22] =	dma.local @!p0 [hbm:s18], $0x480  }
0x75: {  	_ =	swait.ge @!p0 [sflag:s23], $0x480  }
0x76: {  	[sflag:s23] =	ssyncset.done @!p0 $0x0  }
0x77: {  	s14 =	rddreg [dreg:$0x6];
	[sflag:s23] =	ssyncadd.s32 @!p0 $0xFFFFFB80  }
0x78: {  	[tilespmem:s3], [sflag:$0x2] =	stream.linear.gather [hbm4b:s14+s3], $0x280, $0x38;
	[tilespmem:$0x8880] =	vst v63  }
0x79: {  	_ =	swait.ge [sflag:s19], $0x280  }
0x7a: {  	[sflag:s19] =	ssyncset.done $0x0  }
0x7b: {  	s14 =	rddreg [dreg:$0x4];
	[sflag:s19] =	ssyncadd.s32 $0xFFFFFD80  }
0x7c: {  	[tilespmem:s28], [sflag:$0x2] =	stream.linear.gather [hbm4b:s14+s3], $0x4000, $0x38;
	[tilespmem:$0x8880] =	vst v63  }
0x7d: {  	_ =	swait.ge [sflag:s19], $0x4000  }
0x7e: {  	[sflag:s19] =	ssyncset.done $0x0  }
0x7f: {  	[sflag:s19] =	ssyncadd.s32 $0xFFFFC000  }
0x80: {  	[bflag:$0x0] =	sbarrier.arrive $0xFFFF  }
0x81: {  	s14 =	rddreg [dreg:$0x8]  }
0x82: {  	[tilespmem:s8], [sflag:$0x1] =	stream.linear.gather [hbm4b:s14+s3], $0x4000, $0x38;
	[tilespmem:$0x8880] =	vst v63  }
0x83: {  	_ =	swait.ge [sflag:s10], $0x4000  }
0x84: {  	[sflag:s10] =	ssyncset.done $0x0  }
0x85: {  	[sflag:s10] =	ssyncadd.s32 $0xFFFFC000  }
0x86: {  	[spmem:s2] =	stream.indirect.scatter.add.f32 [tilespmem:s8], [sflag:$0x3], $0x80, s3, s11, $0xb8;
	[tilespmem:$0x8880] =	vst v63  }
0x87: {  	_ =	swait.ge [sflag:s9], $0x4000  }
0x88: {  	[sflag:s9] =	ssyncset.done $0x0  }
0x89: {  	s14 =	simm.s32 @!p2 $0x0;
	[sflag:s9] =	ssyncadd.s32 $0xFFFFC000  }
0x8a: {  	[spmem:s1] =	stream.indirect.scatter.add.f32 @!p2 [tilespmem:s24], [sflag:$0x2], $0x80, s14, s26, $0xb8;
	[tilespmem:$0x8880] =	vst v63  }
0x8b: {  	_ =	swait.ge @!p2 [sflag:s25], $0x4000  }
0x8c: {  	[sflag:s25] =	ssyncset.done @!p2 $0x0  }
0x8d: {  	[sflag:s25] =	ssyncadd.s32 @!p2 $0xFFFFC000  }
0x8e: {  	[tilespmem:s8], [sflag:$0x1] =	stream.linear.gather [hbm4b:s17+s3], $0x4000, $0x38;
	[tilespmem:$0x8880] =	vst v63  }
0x8f: {  	_ =	swait.ge [sflag:s10], $0x4000  }
0x90: {  	[sflag:s10] =	ssyncset.done $0x0  }
0x91: {  	[sflag:s10] =	ssyncadd.s32 $0xFFFFC000  }
0x92: {  	[spmem:s2] =	stream.indirect.scatter.add.f32 [tilespmem:s8], [sflag:$0x3], $0x80, s11, s11, $0xb8;
	[tilespmem:$0x8880] =	vst v63  }
0x93: {  	_ =	swait.ge [sflag:s9], $0x4000  }
0x94: {  	[sflag:s9] =	ssyncset.done $0x0  }
0x95: {  	[sflag:s9] =	ssyncadd.s32 $0xFFFFC000  }
0x96: {  	[spmem:s1] =	stream.indirect.scatter.add.f32 @!p2 [tilespmem:s24], [sflag:$0x2], $0x80, s26, s26, $0xb8;
	[tilespmem:$0x8880] =	vst v63  }
0x97: {  	_ =	swait.ge @!p2 [sflag:s25], $0x4000  }
0x98: {  	[sflag:s25] =	ssyncset.done @!p2 $0x0  }
0x99: {  	[sflag:s25] =	ssyncadd.s32 @!p2 $0xFFFFC000  }
0x9a: {  	[tilespmem:s8], [sflag:$0x1] =	stream.linear.gather [hbm4b:s15+s3], $0x4000, $0x38;
	[tilespmem:$0x8880] =	vst v63  }
0x9b: {  	_ =	swait.ge [sflag:s10], $0x4000  }
0x9c: {  	[sflag:s10] =	ssyncset.done $0x0  }
0x9d: {  	s14 =	simm.s32 $0x100;
	[sflag:s10] =	ssyncadd.s32 $0xFFFFC000  }
0x9e: {  	[spmem:s2] =	stream.indirect.scatter.add.f32 [tilespmem:s8], [sflag:$0x3], $0x80, s14, s11, $0xb8;
	[tilespmem:$0x8880] =	vst v63  }
0x9f: {  	_ =	swait.ge [sflag:s9], $0x4000  }
0xa0: {  	[sflag:s9] =	ssyncset.done $0x0  }
0xa1: {  	[sflag:s9] =	ssyncadd.s32 $0xFFFFC000  }
0xa2: {  	[spmem:s1] =	stream.indirect.scatter.add.f32 @!p2 [tilespmem:s24], [sflag:$0x2], $0x80, s29, s26, $0xb8;
	[tilespmem:$0x8880] =	vst v63  }
0xa3: {  	_ =	swait.ge @!p2 [sflag:s25], $0x4000  }
0xa4: {  	[sflag:s25] =	ssyncset.done @!p2 $0x0  }
0xa5: {  	[sflag:s25] =	ssyncadd.s32 @!p2 $0xFFFFC000  }
0xa6: {  	[tilespmem:s8], [sflag:$0x1] =	stream.linear.gather [hbm4b:s13+s3], $0x4000, $0x38;
	[tilespmem:$0x8880] =	vst v63  }
0xa7: {  	_ =	swait.ge [sflag:s10], $0x4000  }
0xa8: {  	[sflag:s10] =	ssyncset.done $0x0  }
0xa9: {  	[sflag:s10] =	ssyncadd.s32 $0xFFFFC000  }
0xaa: {  	[spmem:s2] =	stream.indirect.scatter.add.f32 [tilespmem:s8], [sflag:$0x3], $0x80, s20, s11, $0xb8;
	[tilespmem:$0x8880] =	vst v63  }
0xab: {  	_ =	swait.ge [sflag:s9], $0x4000  }
0xac: {  	[sflag:s9] =	ssyncset.done $0x0  }
0xad: {  	[sflag:s9] =	ssyncadd.s32 $0xFFFFC000  }
0xae: {  	[spmem:s1] =	stream.indirect.scatter.add.f32 @!p2 [tilespmem:s24], [sflag:$0x2], $0x80, s30, s26, $0xb8;
	[tilespmem:$0x8880] =	vst v63  }
0xaf: {  	_ =	swait.ge @!p2 [sflag:s25], $0x4000  }
0xb0: {  	[sflag:s25] =	ssyncset.done @!p2 $0x0  }
0xb1: {  	[sflag:s25] =	ssyncadd.s32 @!p2 $0xFFFFC000  }
0xb2: {  	[tilespmem:s8], [sflag:$0x1] =	stream.linear.gather [hbm4b:s7+s3], $0x4000, $0x38;
	[tilespmem:$0x8880] =	vst v63  }
0xb3: {  	_ =	swait.ge [sflag:s10], $0x4000  }
0xb4: {  	[sflag:s10] =	ssyncset.done $0x0  }
0xb5: {  	[sflag:s10] =	ssyncadd.s32 $0xFFFFC000  }
0xb6: {  	[spmem:s2] =	stream.indirect.scatter.add.f32 [tilespmem:s8], [sflag:$0x3], $0x80, s16, s11, $0xb8;
	[tilespmem:$0x8880] =	vst v63  }
0xb7: {  	_ =	swait.ge [sflag:s9], $0x4000  }
0xb8: {  	[sflag:s9] =	ssyncset.done $0x0  }
0xb9: {  	[sflag:s9] =	ssyncadd.s32 $0xFFFFC000  }
0xba: {  	[spmem:s1] =	stream.indirect.scatter.add.f32 @!p2 [tilespmem:s24], [sflag:$0x2], $0x80, s31, s26, $0xb8;
	[tilespmem:$0x8880] =	vst v63  }
0xbb: {  	_ =	swait.ge @!p2 [sflag:s25], $0x4000  }
0xbc: {  	[sflag:s25] =	ssyncset.done @!p2 $0x0  }
0xbd: {  	[sflag:s25] =	ssyncadd.s32 @!p2 $0xFFFFC000  }
0xbe: {  	[bflag:$0x0] =	sbarrier.arrive $0xFFFF  }
0xbf: {  	s12 =	sadd.s32 $0xFFFFFFFF, s12;
	s14 =	rddreg [dreg:$0x7]  }
0xc0: {  	[hbm:s14], [sflag:s22] =	dma.local @!p0 [spmem:s4], $0x480  }
0xc1: {  	p4 =	sne.s32 s12, $0x0;
	_ =	swait.ge @!p0 [sflag:s23], $0x480  }
.Ltmp2:
0xc2: {  	[sflag:s23] =	ssyncset.done @!p0 $0x0;
	(pc) =	sbr.rel @p4 .LBB2_3-.Ltmp2, $4  }
0xc3: {  	s14 =	rddreg [dreg:$0x5];
	[sflag:s23] =	ssyncadd.s32 @!p0 $0xFFFFFB80  }
0xc4: {  	[hbm:s14], [sflag:s5] =	dma.local @!p1 [spmem:s6], $0x480  }
0xc5: {  	_ =	swait.ge @!p1 [sflag:s0], $0x480  }
0xc6: {  	[sflag:s0] =	ssyncset.done @!p1 $0x0  }
0xc7: {  	s23 =	rddreg [dreg:$0x3];
	s16 =	simm.s32 $0x200  }
0xc8: {  	s20 =	simm.s32 $0x180;
	s28 =	simm.s32 $0x100;
	s14 =	simm.s32 $0x4400  }
.LBB2_5:
0xc9: {  	p3 =	por p1, !p3  }
0xca: {  	s22 =	simm.s32 @!p0 $0x1C02;
	s12 =	simm.s32 @!p0 $0x2;
	[sflag:s0] =	ssyncadd.s32 @!p3 $0xFFFFFB80  }
0xcb: {  	[spmem:s4], [sflag:s22] =	dma.local @!p0 [hbm:s18], $0x480  }
0xcc: {  	_ =	swait.ge @!p0 [sflag:s12], $0x480  }
0xcd: {  	[sflag:s12] =	ssyncset.done @!p0 $0x0  }
0xce: {  	[sflag:s12] =	ssyncadd.s32 @!p0 $0xFFFFFB80  }
0xcf: {  	[spmem:s21], [sflag:s22] =	dma.local @!p0 [hbm:s18], $0x480  }
0xd0: {  	_ =	swait.ge @!p0 [sflag:s12], $0x480  }
0xd1: {  	[sflag:s12] =	ssyncset.done @!p0 $0x0  }
0xd2: {  	s29 =	rddreg [dreg:$0x6];
	[sflag:s12] =	ssyncadd.s32 @!p0 $0xFFFFFB80  }
0xd3: {  	[tilespmem:s3], [sflag:$0x2] =	stream.linear.gather [hbm4b:s29+s3], $0x280, $0x38;
	[tilespmem:$0x8880] =	vst v63  }
0xd4: {  	_ =	swait.ge [sflag:s19], $0x280  }
0xd5: {  	[sflag:s19] =	ssyncset.done $0x0  }
0xd6: {  	s30 =	rddreg [dreg:$0x4];
	[sflag:s19] =	ssyncadd.s32 $0xFFFFFD80  }
0xd7: {  	[tilespmem:s14], [sflag:$0x2] =	stream.linear.gather [hbm4b:s30+s3], $0x4000, $0x38;
	[tilespmem:$0x8880] =	vst v63  }
0xd8: {  	_ =	swait.ge [sflag:s19], $0x4000  }
0xd9: {  	[sflag:s19] =	ssyncset.done $0x0  }
0xda: {  	[sflag:s19] =	ssyncadd.s32 $0xFFFFC000  }
0xdb: {  	[bflag:$0x0] =	sbarrier.arrive $0xFFFF  }
0xdc: {  	s31 =	rddreg [dreg:$0x8]  }
0xdd: {  	[tilespmem:s8], [sflag:$0x1] =	stream.linear.gather [hbm4b:s31+s3], $0x4000, $0x38;
	[tilespmem:$0x8880] =	vst v63  }
0xde: {  	_ =	swait.ge [sflag:s10], $0x4000  }
0xdf: {  	[sflag:s10] =	ssyncset.done $0x0  }
0xe0: {  	[sflag:s10] =	ssyncadd.s32 $0xFFFFC000  }
0xe1: {  	[spmem:s2] =	stream.indirect.scatter.add.f32 [tilespmem:s8], [sflag:$0x3], $0x80, s3, s11, $0xb8;
	[tilespmem:$0x8880] =	vst v63  }
0xe2: {  	_ =	swait.ge [sflag:s9], $0x4000  }
0xe3: {  	s0 =	simm.s32 @!p2 $0x4400;
	s18 =	simm.s32 @!p2 $0x80;
	[sflag:s9] =	ssyncset.done $0x0  }
0xe4: {  	s14 =	simm.s32 @!p2 $0x2;
	s19 =	simm.s32 @!p2 $0x0;
	[sflag:s9] =	ssyncadd.s32 $0xFFFFC000  }
0xe5: {  	[spmem:s1] =	stream.indirect.scatter.add.f32 @!p2 [tilespmem:s0], [sflag:$0x2], $0x80, s19, s18, $0xb8;
	[tilespmem:$0x8880] =	vst v63  }
0xe6: {  	_ =	swait.ge @!p2 [sflag:s14], $0x4000  }
0xe7: {  	[sflag:s14] =	ssyncset.done @!p2 $0x0  }
0xe8: {  	[sflag:s14] =	ssyncadd.s32 @!p2 $0xFFFFC000  }
0xe9: {  	[tilespmem:s8], [sflag:$0x1] =	stream.linear.gather [hbm4b:s17+s3], $0x4000, $0x38;
	[tilespmem:$0x8880] =	vst v63  }
0xea: {  	_ =	swait.ge [sflag:s10], $0x4000  }
0xeb: {  	[sflag:s10] =	ssyncset.done $0x0  }
0xec: {  	[sflag:s10] =	ssyncadd.s32 $0xFFFFC000  }
0xed: {  	[spmem:s2] =	stream.indirect.scatter.add.f32 [tilespmem:s8], [sflag:$0x3], $0x80, s11, s11, $0xb8;
	[tilespmem:$0x8880] =	vst v63  }
0xee: {  	_ =	swait.ge [sflag:s9], $0x4000  }
0xef: {  	[sflag:s9] =	ssyncset.done $0x0  }
0xf0: {  	[sflag:s9] =	ssyncadd.s32 $0xFFFFC000  }
0xf1: {  	[spmem:s1] =	stream.indirect.scatter.add.f32 @!p2 [tilespmem:s0], [sflag:$0x2], $0x80, s18, s18, $0xb8;
	[tilespmem:$0x8880] =	vst v63  }
0xf2: {  	_ =	swait.ge @!p2 [sflag:s14], $0x4000  }
0xf3: {  	[sflag:s14] =	ssyncset.done @!p2 $0x0  }
0xf4: {  	[sflag:s14] =	ssyncadd.s32 @!p2 $0xFFFFC000  }
0xf5: {  	[tilespmem:s8], [sflag:$0x1] =	stream.linear.gather [hbm4b:s15+s3], $0x4000, $0x38;
	[tilespmem:$0x8880] =	vst v63  }
0xf6: {  	_ =	swait.ge [sflag:s10], $0x4000  }
0xf7: {  	[sflag:s10] =	ssyncset.done $0x0  }
0xf8: {  	[sflag:s10] =	ssyncadd.s32 $0xFFFFC000  }
0xf9: {  	[spmem:s2] =	stream.indirect.scatter.add.f32 [tilespmem:s8], [sflag:$0x3], $0x80, s28, s11, $0xb8;
	[tilespmem:$0x8880] =	vst v63  }
0xfa: {  	_ =	swait.ge [sflag:s9], $0x4000  }
0xfb: {  	[sflag:s9] =	ssyncset.done $0x0  }
0xfc: {  	s15 =	simm.s32 @!p2 $0x100;
	[sflag:s9] =	ssyncadd.s32 $0xFFFFC000  }
0xfd: {  	[spmem:s1] =	stream.indirect.scatter.add.f32 @!p2 [tilespmem:s0], [sflag:$0x2], $0x80, s15, s18, $0xb8;
	[tilespmem:$0x8880] =	vst v63  }
0xfe: {  	_ =	swait.ge @!p2 [sflag:s14], $0x4000  }
0xff: {  	[sflag:s14] =	ssyncset.done @!p2 $0x0  }
0x100: {  	[sflag:s14] =	ssyncadd.s32 @!p2 $0xFFFFC000  }
0x101: {  	[tilespmem:s8], [sflag:$0x1] =	stream.linear.gather [hbm4b:s13+s3], $0x4000, $0x38;
	[tilespmem:$0x8880] =	vst v63  }
0x102: {  	_ =	swait.ge [sflag:s10], $0x4000  }
0x103: {  	[sflag:s10] =	ssyncset.done $0x0  }
0x104: {  	[sflag:s10] =	ssyncadd.s32 $0xFFFFC000  }
0x105: {  	[spmem:s2] =	stream.indirect.scatter.add.f32 [tilespmem:s8], [sflag:$0x3], $0x80, s20, s11, $0xb8;
	[tilespmem:$0x8880] =	vst v63  }
0x106: {  	_ =	swait.ge [sflag:s9], $0x4000  }
0x107: {  	[sflag:s9] =	ssyncset.done $0x0  }
0x108: {  	s13 =	simm.s32 @!p2 $0x180;
	[sflag:s9] =	ssyncadd.s32 $0xFFFFC000  }
0x109: {  	[spmem:s1] =	stream.indirect.scatter.add.f32 @!p2 [tilespmem:s0], [sflag:$0x2], $0x80, s13, s18, $0xb8;
	[tilespmem:$0x8880] =	vst v63  }
0x10a: {  	_ =	swait.ge @!p2 [sflag:s14], $0x4000  }
0x10b: {  	[sflag:s14] =	ssyncset.done @!p2 $0x0  }
0x10c: {  	[sflag:s14] =	ssyncadd.s32 @!p2 $0xFFFFC000  }
0x10d: {  	[tilespmem:s8], [sflag:$0x1] =	stream.linear.gather [hbm4b:s7+s3], $0x4000, $0x38;
	[tilespmem:$0x8880] =	vst v63  }
0x10e: {  	_ =	swait.ge [sflag:s10], $0x4000  }
0x10f: {  	[sflag:s10] =	ssyncset.done $0x0  }
0x110: {  	[sflag:s10] =	ssyncadd.s32 $0xFFFFC000  }
0x111: {  	[spmem:s2] =	stream.indirect.scatter.add.f32 [tilespmem:s8], [sflag:$0x3], $0x80, s16, s11, $0xb8;
	[tilespmem:$0x8880] =	vst v63  }
0x112: {  	_ =	swait.ge [sflag:s9], $0x4000  }
0x113: {  	[sflag:s9] =	ssyncset.done $0x0  }
0x114: {  	s2 =	simm.s32 @!p2 $0x200;
	[sflag:s9] =	ssyncadd.s32 $0xFFFFC000  }
0x115: {  	[spmem:s1] =	stream.indirect.scatter.add.f32 @!p2 [tilespmem:s0], [sflag:$0x2], $0x80, s2, s18, $0xb8;
	[tilespmem:$0x8880] =	vst v63  }
0x116: {  	_ =	swait.ge @!p2 [sflag:s14], $0x4000  }
0x117: {  	[sflag:s14] =	ssyncset.done @!p2 $0x0  }
0x118: {  	[sflag:s14] =	ssyncadd.s32 @!p2 $0xFFFFC000  }
0x119: {  	[bflag:$0x0] =	sbarrier.arrive $0xFFFF  }
0x11a: {  	s0 =	rddreg [dreg:$0x7]  }
0x11b: {  	[hbm:s0], [sflag:s22] =	dma.local @!p0 [spmem:s4], $0x480  }
0x11c: {  	_ =	swait.ge @!p0 [sflag:s12], $0x480  }
0x11d: {  	[sflag:s12] =	ssyncset.done @!p0 $0x0  }
0x11e: {  	s1 =	simm.s32 @!p1 $0x2;
	s0 =	rddreg [dreg:$0x5];
	[sflag:s12] =	ssyncadd.s32 @!p0 $0xFFFFFB80  }
0x11f: {  	[hbm:s0], [sflag:s5] =	dma.local @!p1 [spmem:s6], $0x480  }
0x120: {  	_ =	swait.ge @!p1 [sflag:s1], $0x480  }
0x121: {  	[sflag:s1] =	ssyncset.done @!p1 $0x0  }
0x122: {  	[sflag:s1] =	ssyncadd.s32 @!p1 $0xFFFFFB80  }
0x123: {  	_ =	sfence.sel $0x180000  }
0x124: {  	[bflag:$0x0] =	sbarrier.arrive $0xFFFF  }
0x125: {  	_ =	strace $0x9000004D  }
0x126: {  	s0 =	sadd.s32 @!p0 $0x100000, s23;
	[bflag:$0x2] =	sbarrier.arrive $0xFFFF  }
0x127: {  	[sflag:s0] =	ssyncadd.tile.s32 @!p0 $0x1;
	_ =	shalt  }
.LBB2_2:
.Ltmp3:
0x128: {  	(pc) =	sbr.rel .LBB2_5-.Ltmp3, $3  }
0x129: {  	_ =	sdelay $0x1  }
0x12a: {  	s23 =	rddreg [dreg:$0x3];
	s16 =	simm.s32 $0x200  }
0x12b: {  	s20 =	simm.s32 $0x180;
	s28 =	simm.s32 $0x100;
	s14 =	simm.s32 $0x4400  }
.Lfunc_end2:
_tile_overlayer_lowered:
.L_overlay_start_2:
0x12c: {  	(tag) =	ssettag $0x2  }
0x12d: {  	s0 =	rddreg [dreg:$0x0];
	s2 =	stileid.u32  }
0x12e: {  	s1 =	rddreg [dreg:$0x1];
	p0 =	sne.s32 s2, $0x0  }
0x12f: {  	s3 =	rddreg [dreg:$0x2];
	[bflag:$0x3] =	sbarrier.arrive $0xFFFF;
	s2 =	simm.s32 @!p0 $0x1C02  }
0x130: {  	[timem:s3], [sflag:s2] =	dma.local @!p0 [hbm:s0], s1  }
0x131: {  	s0 =	simm.s32 @!p0 $0x2  }
0x132: {  	_ =	swait.ge @!p0 [sflag:s0], s1  }
0x133: {  	s1 =	ssub.s32 @!p0 $0x0, s1;
	[sflag:s0] =	ssyncset.done @!p0 $0x0  }
0x134: {  	[sflag:s0] =	ssyncadd.s32 @!p0 s1  }
0x135: {  	[bflag:$0x3] =	sbarrier.arrive $0xFFFF  }
0x136: {  	_ =	shalt  }

// kernel: kernel.8.cloned.1.call-start
scs
__scs_entry_jumppad:
0x0: {  	(pc) =	sbr.rel $0x88, $3  }
0x1: {  	(tag) =	ssettag $0x0;
	lr =	simm.s32 $0x1  }
0x2: {  	[smem:$0x3F94] =	sst lr;
	_ =	strace $0xD0000000  }
0x3: {  	_ = 	snop  }
0x4: {  	_ = 	snop  }
0x5: {  	_ = 	snop  }
0x6: {  	_ = 	snop  }
0x7: {  	_ = 	snop  }
__scs_overlays_trampoline_lowered:
0x8: {  	[smem:$0x3FA3] =	sst s0  }
0x9: {  	[smem:$0x3FA4] =	sst s1  }
0xa: {  	[smem:$0x3FA5] =	sst s2  }
0xb: {  	[smem:$0x3FA6] =	sst s3  }
0xc: {  	[smem:$0x3FA7] =	sst s4  }
0xd: {  	[smem:$0x3FA8] =	sst s5  }
0xe: {  	[smem:$0x3FA9] =	sst s6  }
0xf: {  	[smem:$0x3FAA] =	sst s7  }
0x10: {  	[smem:$0x3FAB] =	sst s8  }
0x11: {  	[smem:$0x3FAC] =	sst s9;
	s0 =	simm.s32 @!p0 $0x0  }
0x12: {  	s1 =	sld [smem:$0x3F92];
	s0 =	simm.s32 @p0 $0x1  }
0x13: {  	[smem:$0x3FAD] =	sst s0;
	s0 =	simm.s32 @!p1 $0x0  }
0x14: {  	s2 =	sld [smem:$0x3F91];
	s0 =	simm.s32 @p1 $0x1  }
0x15: {  	[smem:$0x3FAE] =	sst s0;
	s0 =	simm.s32 @!p2 $0x0  }
0x16: {  	s3 =	sld [smem:$0x3FDB];
	s0 =	simm.s32 @p2 $0x1  }
0x17: {  	s4 =	simm.s32 $0x1BF5;
	[smem:$0x3FB0] =	sst s0  }
0x18: {  	s0 =	sld [smem:$0x3F93];
	_ =	swait.ge [sflag:s4], $0x0  }
0x19: {  	s7 =	sld [smem:$0x3F94]  }
0x1a: {  	s8 =	sadd.s32 $0xFFFFE003, lr  }
0x1b: {  	s9 =	sadd.s32 $0xFFFFFEF7, lr;
	s5 =	simm.s32 $0xFFFFFFFF;
	p2 =	slt.u32 s8, $0xFFFFF086  }
0x1c: {  	p1 =	slt.u32 s9, $0xF7A;
	s5 =	simm.s32 @!p2 $0x0  }
0x1d: {  	s5 =	simm.s32 @p1 $0x1;
	p0 =	seq.s32 s7, s2  }
0x1e: {  	s7 =	smul.u32 @!p0 $0xF7A, s2;
	p2 =	seq.s32 @!p0 s5, $0x0  }
0x1f: {  	s9 =	smul.u32 $0xF7A, s1;
	s8 =	simm.s32 @!p0 $0x1BF5;
	p2 =	por !p2, p0  }
0x20: {  	[sflag:s8] =	ssyncset.s32 @!p0 $0xFFFFF086;
	s6 =	sadd.s32 @!p0 s3, s7;
	s7 =	simm.s32 @!p0 $0x108  }
0x21: {  	s3 =	sadd.s32 s3, s9;
	s6 =	sadd.s32 @!p0 $0x88, s6;
	s7 =	simm.s32 @p2 $0x1082  }
0x22: {  	[simem:s7], [sflag:s8] =	dma.local @!p0 [hbm:s6], $0xF7A  }
0x23: {  	s9 =	sor.u32 $0xD0000000, s2;
	s6 =	simm.s32 $0x108;
	_ =	swait.ge @!p0 [sflag:s8], $0x0  }
0x24: {  	s3 =	sadd.s32 $0x88, s3;
	s6 =	simm.s32 @!p1 $0x1082;
	[sflag:s4] =	ssyncset.s32 $0xFFFFF086  }
0x25: {  	[simem:s6], [sflag:s4] =	dma.local [hbm:s3], $0xF7A  }
0x26: {  	[smem:$0x3F94] =	sst s1;
	(tag) =	ssettag s2;
	_ =	strace s9  }
0x27: {  	s1 =	sld [smem:$0x3FA4]  }
0x28: {  	s2 =	sld [smem:$0x3FA5]  }
0x29: {  	s4 =	sld [smem:$0x3FA7]  }
0x2a: {  	p0 =	seq.s32 s5, $0x0;
	s5 =	sld [smem:$0x3FA8]  }
0x2b: {  	s6 =	sld [smem:$0x3FA9]  }
0x2c: {  	s7 =	sld [smem:$0x3FAA]  }
0x2d: {  	s3 =	simm.s32 $0x108;
	s8 =	sld [smem:$0x3FAB]  }
0x2e: {  	s3 =	simm.s32 @!p0 $0x1082;
	s9 =	sld [smem:$0x3FAC]  }
0x2f: {  	lr =	sadd.s32 s0, s3;
	s0 =	sld [smem:$0x3FA3]  }
0x30: {  	s3 =	sld [smem:$0x3FA6]  }
0x31: {  	[smem:$0x3FAF] =	sst s10  }
0x32: {  	s10 =	sld [smem:$0x3FAD];
	_ =	sdelay $0x3  }
0x33: {  	p0 =	seq.s32 s10, $0x1;
	s10 =	sld [smem:$0x3FAF];
	_ =	sdelay $0x3  }
0x34: {  	[smem:$0x3FAF] =	sst s10  }
0x35: {  	s10 =	sld [smem:$0x3FAE];
	_ =	sdelay $0x3  }
0x36: {  	p1 =	seq.s32 s10, $0x1;
	s10 =	sld [smem:$0x3FAF];
	_ =	sdelay $0x3  }
0x37: {  	[smem:$0x3FAF] =	sst s10  }
0x38: {  	s10 =	sld [smem:$0x3FB0]  }
0x39: {  	_ = 	snop;
	(pc) =	sbr.ind lr, $3  }
0x3a: {  	_ = 	snop  }
0x3b: {  	_ = 	snop  }
0x3c: {  	p2 =	seq.s32 s10, $0x1;
	s10 =	sld [smem:$0x3FAF]  }
0x3d: {  	_ =	shalt  }
0x3e: {  	_ =	shalt  }
0x3f: {  	_ =	shalt  }
0x40: {  	_ =	shalt  }
0x41: {  	_ =	shalt  }
0x42: {  	_ =	shalt  }
0x43: {  	_ =	shalt  }
0x44: {  	_ =	shalt  }
0x45: {  	_ =	shalt  }
0x46: {  	_ =	shalt  }
0x47: {  	_ =	shalt  }
0x48: {  	_ =	shalt  }
0x49: {  	_ =	shalt  }
0x4a: {  	_ =	shalt  }
0x4b: {  	_ =	shalt  }
0x4c: {  	_ =	shalt  }
0x4d: {  	_ =	shalt  }
0x4e: {  	_ =	shalt  }
0x4f: {  	_ =	shalt  }
0x50: {  	_ =	shalt  }
0x51: {  	_ =	shalt  }
0x52: {  	_ =	shalt  }
0x53: {  	_ =	shalt  }
0x54: {  	_ =	shalt  }
0x55: {  	_ =	shalt  }
0x56: {  	_ =	shalt  }
0x57: {  	_ =	shalt  }
0x58: {  	_ =	shalt  }
0x59: {  	_ =	shalt  }
0x5a: {  	_ =	shalt  }
0x5b: {  	_ =	shalt  }
0x5c: {  	_ =	shalt  }
0x5d: {  	_ =	shalt  }
0x5e: {  	_ =	shalt  }
0x5f: {  	_ =	shalt  }
0x60: {  	_ =	shalt  }
0x61: {  	_ =	shalt  }
0x62: {  	_ =	shalt  }
0x63: {  	_ =	shalt  }
0x64: {  	_ =	shalt  }
0x65: {  	_ =	shalt  }
0x66: {  	_ =	shalt  }
0x67: {  	_ =	shalt  }
0x68: {  	_ =	shalt  }
0x69: {  	_ =	shalt  }
0x6a: {  	_ =	shalt  }
0x6b: {  	_ =	shalt  }
0x6c: {  	_ =	shalt  }
0x6d: {  	_ =	shalt  }
0x6e: {  	_ =	shalt  }
0x6f: {  	_ =	shalt  }
0x70: {  	_ =	shalt  }
0x71: {  	_ =	shalt  }
0x72: {  	_ =	shalt  }
0x73: {  	_ =	shalt  }
0x74: {  	_ =	shalt  }
0x75: {  	_ =	shalt  }
0x76: {  	_ =	shalt  }
0x77: {  	_ =	shalt  }
0x78: {  	_ =	shalt  }
0x79: {  	_ =	shalt  }
0x7a: {  	_ =	shalt  }
0x7b: {  	_ =	shalt  }
0x7c: {  	_ =	shalt  }
0x7d: {  	_ =	shalt  }
0x7e: {  	_ =	shalt  }
0x7f: {  	_ =	shalt  }
0x80: {  	_ =	shalt  }
0x81: {  	_ =	shalt  }
0x82: {  	_ =	shalt  }
0x83: {  	_ =	shalt  }
0x84: {  	_ =	shalt  }
0x85: {  	_ =	shalt  }
0x86: {  	_ =	shalt  }
0x87: {  	_ =	shalt  }
.Lfunc_end0:
.L_simem_size_0:
called_computation_lowered:
.L_overlay_start_0:
0x88: {  	s2 =	sld [smem:$0x3FD9]  }
0x89: {  	s3 =	sld [smem:$0x3FFE];
	_ =	sdelay $0x1  }
0x8a: {  	s1 =	srdreg.scid  }
0x8b: {  	s0 =	sand.u32 $0x1, s1  }
0x8c: {  	s16 =	sshll.u32 s0, $0xA;
	s2 =	sadd.s32 s3, s2  }
0x8d: {  	s2 =	sadd.s32 s2, s16  }
0x8e: {  	[smem:$0x3FBB] =	sst s2  }
0x8f: {  	_ = 	snop  }
0x90: {  	(tm) =	ssettm $0x1  }
0x91: {  	s17 =	sld [smem:$0x3FFB];
	_ =	sdelay $0x3  }
0x92: {  	_ =	strace s17  }
0x93: {  	s2 =	sld [smem:$0x3FFC];
	_ =	sdelay $0x3  }
0x94: {  	_ =	strace s2  }
0x95: {  	s2 =	sld [smem:$0x3FFD];
	_ =	sdelay $0x3  }
0x96: {  	_ =	strace s2  }
0x97: {  	_ =	strace $0x8FFFFFFF  }
0x98: {  	s18 =	sld [smem:$0x3FDB];
	_ =	sdelay $0x1  }
0x99: {  	s19 =	simm.s32 $_scs_section_size  }
0x9a: {  	s4 =	simm.s32 $_size__tile_overlayer_lowered;
	s5 =	simm.s32 $_tile_overlayer_lowered  }
0x9b: {  	s22 =	simm.s32 $0x1BFF;
	s21 =	sshll.u32 s5, $0x1;
	s2 =	sadd.s32 s19, s18  }
0x9c: {  	s6 =	simm.s32 $0x0;
	s20 =	sshll.u32 s4, $0x1;
	s4 =	sadd.s32 s21, s2  }
0x9d: {  	[timem:s6], [sflag:s22] =	dma.local [hbm:s4], s20  }
0x9e: {  	_ =	swait.ge [sflag:s22], s20  }
0x9f: {  	s3 =	ssub.s32 $0x0, s20;
	[sflag:s22] =	ssyncset.done $0x0  }
0xa0: {  	[sflag:s22] =	ssyncadd.s32 s3;
	_ =	sdelay $0x1  }
0xa1: {  	s23 =	simm.s32 $0x1B8B  }
0xa2: {  	_ =	swait.ge [sflag:s23], $0x1  }
0xa3: {  	[sflag:s23] =	ssyncset.done $0x0  }
0xa4: {  	s25 =	simm.s32 $0x1B8E;
	s24 =	sld [smem:$0x3FFE];
	[sflag:s23] =	ssyncadd.s32 $0xFFFFFFFF  }
0xa5: {  	s26 =	simm.s32 $execute0_lowered;
	[smem:$0x3FD2] =	sst s25  }
0xa6: {  	s4 =	sshll.u32 s26, $0x1;
	_ =	strace $0x80000046;
	[dreg:$0x1] =	wrdreg $0xFFFFFFFF  }
0xa7: {  	s28 =	simm.s32 $_size_execute0_lowered;
	s2 =	sadd.s32 s2, s4;
	[dreg:$0x0] =	wrdreg $0x0  }
0xa8: {  	s4 =	sshll.u32 s28, $0x1;
	[dreg:$0x2] =	wrdreg s2  }
0xa9: {  	[dreg:$0x3] =	wrdreg s4  }
0xaa: {  	[dreg:$0x4] =	wrdreg $0xC0  }
0xab: {  	_ =	task [dreg:s6], $0x5FFFF  }
0xac: {  	[dreg:$0x1] =	wrdreg $0xFFFFFFFF  }
0xad: {  	[dreg:$0x0] =	wrdreg $0x60  }
0xae: {  	[dreg:$0x2] =	wrdreg s24  }
0xaf: {  	[dreg:$0x3] =	wrdreg $0x150000  }
0xb0: {  	[dreg:$0x4] =	wrdreg $0x9  }
0xb1: {  	_ =	task.clear_ibuf [dreg:s6], $0x5FFFF;
	_ =	strace $0x90000046  }
0xb2: {  	s29 =	simm.s32 $0x9;
	_ =	strace $0x80000048  }
0xb3: {  	_ =	swait.ge [sflag:s29], $0x1  }
0xb4: {  	[sflag:s29] =	ssyncadd.s32 $0xFFFFFFFF  }
0xb5: {  	_ =	strace $0x90000048  }
0xb6: {  	_ =	sfence  }
0xb7: {  	s30 =	sld [smem:$0x0];
	_ =	sdelay $0x2  }
0xb8: {  	s31 =	sshll.u32 s1, $0xD;
	s1 =	sshrl.u32 s1, $0x2  }
0xb9: {  	s3 =	sand.u32 $0x4000, s31;
	s1 =	sadd.s32 s1, s30  }
0xba: {  	s0 =	sor.u32 s3, s0;
	s1 =	sshll.u32 s1, $0x11  }
0xbb: {  	s0 =	sor.u32 s1, s0  }
0xbc: {  	s0 =	sadd.s32 $0x8F2B, s0  }
0xbd: {  	[sflag:s0] =	ssyncadd.remote.s32 $0x1  }
0xbe: {  	_ =	sfence.sel $0xFFFF  }
0xbf: {  	[dreg:$0x0] =	wrdreg $0xFFFFFFFF;
	(pc) =	sbr.abs _section_cstart, $3  }
0xc0: {  	[dreg:$0x1] =	wrdreg $0xFFFFFFFF  }
0xc1: {  	_ =	task.clear_ibuf [dreg:s6], $0x2FFFF;
	_ =	strace $0x9FFFFFFF  }
0xc2: {  	(tm) =	ssettm $0x7FFFFFFF  }
0xc3: {  	_ =	shalt  }
tec
execute0_lowered:
.L_overlay_start_1:
0x0: {  	(tag) =	ssettag $0x1  }
0x1: {  	s5 =	rddreg [dreg:$0x0]  }
0x2: {  	s2 =	rddreg [dreg:$0x1]  }
0x3: {  	s0 =	rddreg [dreg:$0x2];
	s1 =	stileid.u32  }
0x4: {  	s4 =	srdreg.scid;
	s3 =	simm.s32 $0x0;
	s14 =	simm.s32 $0x50  }
0x5: {  	s15 =	simm.s32 $0x10000;
	s16 =	simm.s32 $0x80;
	s17 =	simm.s32 $0x12800  }
0x6: {  	s18 =	simm.s32 $0x1;
	s19 =	simm.s32 $0x2;
	s6 =	smul.u32 $0x1480, s1  }
0x7: {  	s20 =	simm.s32 $0xFC00;
	s21 =	simm.s32 $0xFC80;
	s10 =	smul.u32 $0x1400, s1  }
0x8: {  	s23 =	simm.s32 $0x0;
	s7 =	sand.u32 $0x1, s4;
	s11 =	smul.u32 $0x29000, s1  }
0x9: {  	[smem:$0x7FF] =	sst s3;
	s9 =	sshll.u32 s1, $0xC;
	s12 =	smul.u32 $0x28000, s1  }
0xa: {  	s4 =	sadd.s32 $0x34200, s5;
	s31 =	sshll.u32 s1, $0x6;
	s8 =	smul.u32 $0x14000, s7  }
0xb: {  	_ =	strace $0x80000047;
	s9 =	sadd.s32 s9, s5;
	s28 =	ssub.s32 $0x2, s7  }
0xc: {  	s7 =	sshll.u32 s7, $0x10;
	s6 =	sadd.s32 s6, s5;
	s29 =	sshrl.u32 s28, $0x1  }
0xd: {  	s7 =	sadd.s32 s7, s9;
	s11 =	sshrl.u32 s11, $0x2;
	s30 =	sshrl.u32 s12, $0x2  }
0xe: {  	s12 =	sor.u32 $0x1C03, s31;
	s8 =	sadd.s32 s10, s8;
	s10 =	ssub.s32 s28, s29  }
0xf: {  	s13 =	sadd.s32 s11, s2;
	s6 =	sadd.s32 $0x5C200, s6;
	s22 =	sadd.s32 s30, s2  }
0x10: {  	s11 =	simm.s32 $0x3;
	s8 =	sadd.s32 s8, s5;
	s5 =	sadd.s32 $0x14200, s7  }
0x11: {  	s7 =	sadd.s32 $0x4200, s9;
	s9 =	smax.u32 s10, $0x1;
	s10 =	simm.s32 $0x8000  }
0x12: {  	s13 =	sshrl.u32 s13, $0x3;
	s22 =	sshrl.u32 s22, $0x3;
	s8 =	sadd.s32 $0x70A00, s8  }
.LBB2_1:
0x13: {  	[tilespmem:s10], [sflag:$0x3] =	stream.linear.gather [hbm4b:s5+s3], $0x7D00, $0x38;
	[tilespmem:$0x1F400] =	vst v63  }
0x14: {  	_ =	swait.ge [sflag:s11], $0x7D00  }
0x15: {  	[sflag:s11] =	ssyncset.done $0x0  }
0x16: {  	[sflag:s11] =	ssyncadd.s32 $0xFFFF8300  }
0x17: {  	[spmem:s13], [sflag:s12] =	dma.local [hbm:s6], $0x1480  }
0x18: {  	_ =	swait.ge [sflag:s11], $0x1480  }
0x19: {  	[sflag:s11] =	ssyncset.done $0x0  }
0x1a: {  	[sflag:s11] =	ssyncadd.s32 $0xFFFFEB80  }
0x1b: {  	[tilespmem:s3], [sflag:$0x3] =	stream.linear.gather [hbm4b:s7+s3], $0x7D00, $0x38;
	[tilespmem:$0x1F400] =	vst v63  }
0x1c: {  	_ =	swait.ge [sflag:s11], $0x7D00  }
0x1d: {  	[sflag:s11] =	ssyncset.done $0x0  }
0x1e: {  	[sflag:s11] =	ssyncadd.s32 $0xFFFF8300  }
0x1f: {  	[bflag:$0x0] =	sbarrier.arrive $0xFFFF  }
0x20: {  	[tilespmem:s15], [sflag:$0x1] =	stream.indirect.gather [hbm4b:s4+s14], $0x80, s3, s14, $0xb8;
	[tilespmem:$0x1F400] =	vst v63  }
0x21: {  	_ = 	snop  }
0x22: {  	[tilespmem:s17], [sflag:$0x2] =	stream.indirect.gather [hbm4b:s4+s14], $0x80, s16, s14, $0xb8;
	[tilespmem:$0x1F400] =	vst v63  }
0x23: {  	_ =	swait.ge [sflag:s18], $0x2800  }
0x24: {  	[sflag:s18] =	ssyncset.done $0x0  }
0x25: {  	s24 =	simm.s32 $0x8000;
	[sflag:s18] =	ssyncadd.s32 $0xFFFFD800  }
0x26: {  	[spmem:s2] =	stream.indirect.scatter.add.f32 [tilespmem:s15], [sflag:$0x3], $0x80, s24, s14, $0xb8;
	[tilespmem:$0x1F400] =	vst v63  }
0x27: {  	_ =	swait.ge [sflag:s11], $0x2800  }
0x28: {  	[sflag:s11] =	ssyncset.done $0x0  }
0x29: {  	s30 =	simm.s32 $0x100;
	[sflag:s11] =	ssyncadd.s32 $0xFFFFD800  }
0x2a: {  	[tilespmem:s15], [sflag:$0x1] =	stream.indirect.gather [hbm4b:s4+s14], $0x80, s30, s14, $0xb8;
	[tilespmem:$0x1F400] =	vst v63  }
0x2b: {  	_ =	swait.ge [sflag:s19], $0x2800  }
0x2c: {  	[sflag:s19] =	ssyncset.done $0x0  }
0x2d: {  	s31 =	simm.s32 $0x8080;
	[sflag:s19] =	ssyncadd.s32 $0xFFFFD800  }
0x2e: {  	[spmem:s2] =	stream.indirect.scatter.add.f32 [tilespmem:s17], [sflag:$0x3], $0x80, s31, s14, $0xb8;
	[tilespmem:$0x1F400] =	vst v63  }
0x2f: {  	_ =	swait.ge [sflag:s11], $0x2800  }
0x30: {  	[sflag:s11] =	ssyncset.done $0x0  }
0x31: {  	s25 =	simm.s32 $0x180;
	s24 =	simm.s32 $0x400;
	[sflag:s11] =	ssyncadd.s32 $0xFFFFD800  }
.LBB2_2:
0x32: {  	[tilespmem:s17], [sflag:$0x2] =	stream.indirect.gather [hbm4b:s4+s14], $0x80, s25, s14, $0xb8;
	[tilespmem:$0x1F400] =	vst v63  }
0x33: {  	s25 =	smov.u32 s24  }
0x34: {  	p0 =	sne.s32 s24, $0x1EC00;
	s24 =	sadd.s32 $0x400, s24;
	_ =	swait.ge [sflag:s18], $0x2800  }
0x35: {  	s25 =	sshra.s32 s25, $0x2;
	[sflag:s18] =	ssyncset.done $0x0  }
0x36: {  	s26 =	sadd.s32 $0x8000, s25;
	[sflag:s18] =	ssyncadd.s32 $0xFFFFD800  }
0x37: {  	[spmem:s2] =	stream.indirect.scatter.add.f32 [tilespmem:s15], [sflag:$0x3], $0x80, s26, s14, $0xb8;
	[tilespmem:$0x1F400] =	vst v63  }
0x38: {  	_ =	swait.ge [sflag:s11], $0x2800  }
0x39: {  	[sflag:s11] =	ssyncset.done $0x0  }
0x3a: {  	s26 =	sadd.s32 $0x100, s25;
	[sflag:s11] =	ssyncadd.s32 $0xFFFFD800  }
0x3b: {  	[tilespmem:s15], [sflag:$0x1] =	stream.indirect.gather [hbm4b:s4+s14], $0x80, s26, s14, $0xb8;
	[tilespmem:$0x1F400] =	vst v63  }
0x3c: {  	_ =	swait.ge [sflag:s19], $0x2800  }
0x3d: {  	[sflag:s19] =	ssyncset.done $0x0  }
.Ltmp0:
0x3e: {  	s26 =	sadd.s32 $0x8080, s25;
	[sflag:s19] =	ssyncadd.s32 $0xFFFFD800;
	(pc) =	sbr.rel @p0 .LBB2_2-.Ltmp0, $4  }
0x3f: {  	[spmem:s2] =	stream.indirect.scatter.add.f32 [tilespmem:s17], [sflag:$0x3], $0x80, s26, s14, $0xb8;
	[tilespmem:$0x1F400] =	vst v63  }
0x40: {  	_ =	swait.ge [sflag:s11], $0x2800  }
0x41: {  	[sflag:s11] =	ssyncset.done $0x0  }
0x42: {  	s25 =	sadd.s32 $0x180, s25;
	[sflag:s11] =	ssyncadd.s32 $0xFFFFD800  }
0x43: {  	[tilespmem:s17], [sflag:$0x2] =	stream.indirect.gather [hbm4b:s4+s14], $0x80, s25, s14, $0xb8;
	[tilespmem:$0x1F400] =	vst v63  }
0x44: {  	_ =	swait.ge [sflag:s18], $0x2800  }
0x45: {  	[sflag:s18] =	ssyncset.done $0x0  }
0x46: {  	[sflag:s18] =	ssyncadd.s32 $0xFFFFD800  }
0x47: {  	[spmem:s2] =	stream.indirect.scatter.add.f32 [tilespmem:s15], [sflag:$0x3], $0x80, s20, s14, $0xb8;
	[tilespmem:$0x1F400] =	vst v63  }
0x48: {  	_ =	swait.ge [sflag:s11], $0x2800  }
0x49: {  	[sflag:s11] =	ssyncset.done $0x0  }
0x4a: {  	[sflag:s11] =	ssyncadd.s32 $0xFFFFD800  }
0x4b: {  	_ =	swait.ge [sflag:s19], $0x2800  }
0x4c: {  	[sflag:s19] =	ssyncset.done $0x0  }
0x4d: {  	[sflag:s19] =	ssyncadd.s32 $0xFFFFD800  }
0x4e: {  	[spmem:s2] =	stream.indirect.scatter.add.f32 [tilespmem:s17], [sflag:$0x3], $0x80, s21, s14, $0xb8;
	[tilespmem:$0x1F400] =	vst v63  }
0x4f: {  	_ =	swait.ge [sflag:s11], $0x2800  }
0x50: {  	s23 =	sadd.s32 $0x1, s23;
	[sflag:s11] =	ssyncset.done $0x0  }
0x51: {  	p0 =	sne.s32 s23, s9;
	[sflag:s11] =	ssyncadd.s32 $0xFFFFD800  }
.Ltmp1:
0x52: {  	[bflag:$0x0] =	sbarrier.arrive $0xFFFF;
	(pc) =	sbr.rel @p0 .LBB2_1-.Ltmp1, $4  }
0x53: {  	[hbm:s8], [sflag:s12] =	dma.local [spmem:s22], $0x1400  }
0x54: {  	_ =	swait.ge [sflag:s11], $0x1400  }
0x55: {  	[sflag:s11] =	ssyncset.done $0x0  }
0x56: {  	[sflag:s11] =	ssyncadd.s32 $0xFFFFEC00  }
0x57: {  	_ =	sfence.sel $0x180000  }
0x58: {  	[bflag:$0x0] =	sbarrier.arrive $0xFFFF  }
0x59: {  	p0 =	sne.s32 s1, $0x0;
	_ =	strace $0x90000047  }
0x5a: {  	s0 =	sadd.s32 @!p0 $0x100000, s0;
	[bflag:$0x2] =	sbarrier.arrive $0xFFFF  }
0x5b: {  	[sflag:s0] =	ssyncadd.tile.s32 @!p0 $0x1;
	_ =	shalt  }
.Lfunc_end2:
_tile_overlayer_lowered:
.L_overlay_start_2:
0x5c: {  	(tag) =	ssettag $0x2  }
0x5d: {  	s0 =	rddreg [dreg:$0x0];
	s2 =	stileid.u32  }
0x5e: {  	s1 =	rddreg [dreg:$0x1];
	p0 =	sne.s32 s2, $0x0  }
0x5f: {  	s3 =	rddreg [dreg:$0x2];
	[bflag:$0x3] =	sbarrier.arrive $0xFFFF;
	s2 =	simm.s32 @!p0 $0x1C03  }
0x60: {  	[timem:s3], [sflag:s2] =	dma.local @!p0 [hbm:s0], s1  }
0x61: {  	s0 =	simm.s32 @!p0 $0x3  }
0x62: {  	_ =	swait.ge @!p0 [sflag:s0], s1  }
0x63: {  	s1 =	ssub.s32 @!p0 $0x0, s1;
	[sflag:s0] =	ssyncset.done @!p0 $0x0  }
0x64: {  	[sflag:s0] =	ssyncadd.s32 @!p0 s1  }
0x65: {  	[bflag:$0x3] =	sbarrier.arrive $0xFFFF  }
0x66: {  	_ =	shalt  }

</sc_bundles>
